<compile_context>
chip_gen: v7x
topology: tpu7x:2x2x1
jax: 0.10.2.dev20260603
libtpu: 0.0.44.dev20260713+nightly
codegen_flags: <defaults>
</compile_context>

<pallas_src>
import functools

import jax
import jax.numpy as jnp
from jax import lax
from jax.experimental import pallas as pl
from jax.experimental.pallas import tpu as pltpu
from jax.experimental.pallas import tpu_sc as plsc

NUM_SEG_CLASSES = 19
NUM_STUFF = 11
NUM_BOXES = 200
H, W = 256, 512
WL = 384
BOX_SCALE = 0.25
BOXES_PER_STEP = 20

NUM_WORKERS = 32
SC_ROWS = H // NUM_WORKERS


def _inst_kernel(cls_ref, boxes_ref, seg_ref, inst_ref):
    s = pl.program_id(0)
    rows = jax.lax.broadcasted_iota(jnp.int32, (H, 1), 0)
    cols = jax.lax.broadcasted_iota(jnp.int32, (1, WL), 1)
    zeros_right = jnp.zeros((H, W - WL), jnp.float32)
    for j in range(BOXES_PER_STEP):
        n = s * BOXES_PER_STEP + j
        cls_n = cls_ref[n]
        mapped = jnp.clip(cls_n + 10, 0, NUM_SEG_CLASSES - 1)
        x0 = jnp.floor(boxes_ref[n, 1] * BOX_SCALE).astype(jnp.int32)
        y0 = jnp.floor(boxes_ref[n, 2] * BOX_SCALE).astype(jnp.int32)
        x1 = (jnp.round(boxes_ref[n, 3] * BOX_SCALE) + 1.0).astype(jnp.int32)
        y1 = (jnp.round(boxes_ref[n, 4] * BOX_SCALE) + 1.0).astype(jnp.int32)
        row_ok = (rows >= y0) & (rows < y1) & (cls_n != 0)
        col_ok = (cols >= x0) & (cols < x1)
        mask = row_ok & col_ok
        inst_ref[0, j, :, :WL] = jnp.where(mask, seg_ref[0, mapped, :, :WL], 0.0)
        inst_ref[0, j, :, WL:] = zeros_right


@functools.partial(
    pl.kernel,
    mesh=plsc.VectorSubcoreMesh(core_axis_name="c", subcore_axis_name="s"),
    out_type=jax.ShapeDtypeStruct((1, NUM_STUFF, H, W), jnp.float32),
    scratch_types=[pltpu.VMEM((SC_ROWS, W), jnp.float32)],
    compiler_params=pltpu.CompilerParams(use_tc_tiling_on_sc=True),
)
def _stuff_sc_kernel(seg_hbm, out_hbm, buf):
    wid = lax.axis_index("s") * 2 + lax.axis_index("c")
    r0 = wid * SC_ROWS
    for c in range(NUM_STUFF):
        pltpu.sync_copy(seg_hbm.at[0, c, pl.ds(r0, SC_ROWS), :], buf)
        pltpu.sync_copy(buf, out_hbm.at[0, c, pl.ds(r0, SC_ROWS), :])


def kernel(cls_indices, seg_score, boxes):
    cls_indices = cls_indices.astype(jnp.int32)
    boxes = boxes.astype(jnp.float32)

    stuff = _stuff_sc_kernel(seg_score)

    inst = pl.pallas_call(
        _inst_kernel,
        grid=(NUM_BOXES // BOXES_PER_STEP,),
        in_specs=[
            pl.BlockSpec(memory_space=pltpu.SMEM),
            pl.BlockSpec(memory_space=pltpu.SMEM),
            pl.BlockSpec(
                (1, NUM_SEG_CLASSES, H, W), lambda s: (0, 0, 0, 0)
            ),
        ],
        out_specs=pl.BlockSpec((1, BOXES_PER_STEP, H, W), lambda s: (0, s, 0, 0)),
        out_shape=jax.ShapeDtypeStruct((1, NUM_BOXES, H, W), jnp.float32),
    )(cls_indices, boxes, seg_score)

    return (stuff, inst)

# --- scband reference (transcript-rebuilt; emitter-appended) ---
"""Pipeline reference for scband-seg-term-70248485093641 (READ-ONLY COPY).

The authoritative reference and input builder live on the scoring server;
editing this copy changes nothing except your own understanding.
"""

import jax, jax.numpy as jnp
import numpy as np

NUM_SEG_CLASSES = 19
NUM_THINGS = 8
NUM_STUFF = NUM_SEG_CLASSES - NUM_THINGS
BOX_SCALE = 0.25
NUM_BOXES = 200
H, W = 256, 512


def setup_inputs(seed: int = 0) -> dict:
    key = jax.random.key(seed)
    k1, k2, k3 = jax.random.split(key, 3)
    cls_indices = jax.random.randint(k1, (NUM_BOXES,), 0, 9)
    seg_score = jax.random.normal(k2, (1, NUM_SEG_CLASSES, H, W), dtype=jnp.float32)
    boxes = jax.random.randint(k3, (NUM_BOXES, 5), 0, 1024).astype(jnp.float32)
    return {"cls_indices": cls_indices, "seg_score": seg_score, "boxes": boxes}


def reference(cls_indices, seg_score, boxes):
    # stuff energy: first NUM_STUFF channels, batch 0
    seg_stuff_energy = seg_score[0:1, :NUM_STUFF, :, :]
    h = seg_score.shape[2]
    w = seg_score.shape[3]
    b = boxes[:, 1:] * BOX_SCALE  # [N, 4] = (x0, y0, x1, y1)
    # int() truncation == floor for non-negative coords
    x0 = jnp.floor(b[:, 0]).astype(jnp.int32)
    y0 = jnp.floor(b[:, 1]).astype(jnp.int32)
    x1 = (jnp.round(b[:, 2]) + 1.0).astype(jnp.int32)
    y1 = (jnp.round(b[:, 3]) + 1.0).astype(jnp.int32)
    rows = jnp.arange(h)[None, :, None]  # [1, h, 1]
    cols = jnp.arange(w)[None, None, :]  # [1, 1, w]
    in_box = (
        (rows >= y0[:, None, None]) & (rows < y1[:, None, None]) &
        (cols >= x0[:, None, None]) & (cols < x1[:, None, None])
    )  # [N, h, w]
    valid = (cls_indices != 0)[:, None, None]  # skip class 0
    mapped = jnp.clip(cls_indices + 10, 0, NUM_SEG_CLASSES - 1)  # class_mapping: k -> k+10
    gathered = jnp.take(seg_score[0], mapped, axis=0)  # [N, h, w]
    seg_inst_energy = jnp.where(in_box & valid, gathered, 0.0)[None]  # [1, N, h, w]
    return (seg_stuff_energy, seg_inst_energy)

if __name__ == "__main__":
    import jax
    _d = setup_inputs()
    print(jax.jit(kernel)(*tuple(_d.values())))

</pallas_src>

<mosaic_0001>
#map = affine_map<(d0, d1) -> (0, 0, 0, 0)>
module attributes {stable_mosaic.version = 14 : i64} {
  func.func @_stuff_sc_kernel(%arg0: i32, %arg1: i32, %arg2: memref<1x19x256x512xf32, #tpu.memory_space<hbm>>, %arg3: memref<1x11x256x512xf32, #tpu.memory_space<hbm>>, %arg4: memref<8x512xf32, #tpu.memory_space<vmem>>) attributes {dimension_semantics = [#tpu.dimension_semantics<core_parallel>, #tpu.dimension_semantics<subcore_parallel>], iteration_bounds = array<i64: 2, 16>, scalar_prefetch = 0 : i64, scratch_operands = 1 : i64, tpu.core_type = #tpu.core_type<sc_vector_subcore>, window_params = [{transform_indices = #map}, {transform_indices = #map}]} {
    %mul3A = arith.constant 2 : i32
    %mul3A_0 = arith.muli %arg1, %mul3A : i32
    %add3A = arith.addi %mul3A_0, %arg0 : i32
    %mul3A_1 = arith.constant 8 : i32
    %mul3A_2 = arith.muli %add3A, %mul3A_1 : i32
    %run_scoped3A = arith.constant 0 : i32
    %run_scoped3A_3 = arith.constant 0 : i32
    "tpu.region"() ({
      %run_scoped3A_46 = tpu.sem_alloc : memref<!tpu.dma_semaphore, #tpu.memory_space<semaphore_mem>>
      %dma_start3A = arith.constant 0 : i32
      %dma_start3A_47 = tpu.memref_slice %arg2[%run_scoped3A, %run_scoped3A_3, %mul3A_2, %dma_start3A] : memref<1x19x256x512xf32, #tpu.memory_space<hbm>> -> memref<1x1x8x512xf32, #tpu.memory_space<hbm>>
      %dma_start3A_48 = tpu.memref_squeeze %dma_start3A_47 : memref<1x1x8x512xf32, #tpu.memory_space<hbm>> -> memref<8x512xf32, #tpu.memory_space<hbm>>
      %dma_start3A_49 = arith.constant 0 : i32
      %dma_start3A_50 = tpu.memref_slice %arg2[%run_scoped3A, %run_scoped3A_3, %mul3A_2, %dma_start3A_49] : memref<1x19x256x512xf32, #tpu.memory_space<hbm>> -> memref<1x1x8x512xf32, #tpu.memory_space<hbm>>
      %dma_start3A_51 = tpu.memref_squeeze %dma_start3A_50 : memref<1x1x8x512xf32, #tpu.memory_space<hbm>> -> memref<8x512xf32, #tpu.memory_space<hbm>>
      tpu.enqueue_dma source(%dma_start3A_51 : memref<8x512xf32, #tpu.memory_space<hbm>>) target(%arg4 : memref<8x512xf32, #tpu.memory_space<vmem>>) target_semaphore(%run_scoped3A_46 : memref<!tpu.dma_semaphore, #tpu.memory_space<semaphore_mem>>)
      %dma_wait3A = arith.constant 0 : i32
      %dma_wait3A_52 = tpu.memref_slice %arg2[%run_scoped3A, %run_scoped3A_3, %mul3A_2, %dma_wait3A] : memref<1x19x256x512xf32, #tpu.memory_space<hbm>> -> memref<1x1x8x512xf32, #tpu.memory_space<hbm>>
      %dma_wait3A_53 = tpu.memref_squeeze %dma_wait3A_52 : memref<1x1x8x512xf32, #tpu.memory_space<hbm>> -> memref<8x512xf32, #tpu.memory_space<hbm>>
      %dma_wait3A_54 = arith.constant 0 : i32
      %dma_wait3A_55 = tpu.memref_slice %arg2[%run_scoped3A, %run_scoped3A_3, %mul3A_2, %dma_wait3A_54] : memref<1x19x256x512xf32, #tpu.memory_space<hbm>> -> memref<1x1x8x512xf32, #tpu.memory_space<hbm>>
      %dma_wait3A_56 = tpu.memref_squeeze %dma_wait3A_55 : memref<1x1x8x512xf32, #tpu.memory_space<hbm>> -> memref<8x512xf32, #tpu.memory_space<hbm>>
      tpu.wait_dma2 semaphore(%run_scoped3A_46 : memref<!tpu.dma_semaphore, #tpu.memory_space<semaphore_mem>>) src(%dma_wait3A_56 : memref<8x512xf32, #tpu.memory_space<hbm>>) dst(%arg4 : memref<8x512xf32, #tpu.memory_space<vmem>>)
      tpu.yield
    }) : () -> ()
    %run_scoped3A_4 = arith.constant 0 : i32
    %run_scoped3A_5 = arith.constant 0 : i32
    "tpu.region"() ({
      %run_scoped3A_46 = tpu.sem_alloc : memref<!tpu.dma_semaphore, #tpu.memory_space<semaphore_mem>>
      %dma_start3A = arith.constant 0 : i32
      %dma_start3A_47 = tpu.memref_slice %arg3[%run_scoped3A_4, %run_scoped3A_5, %mul3A_2, %dma_start3A] : memref<1x11x256x512xf32, #tpu.memory_space<hbm>> -> memref<1x1x8x512xf32, #tpu.memory_space<hbm>>
      %dma_start3A_48 = tpu.memref_squeeze %dma_start3A_47 : memref<1x1x8x512xf32, #tpu.memory_space<hbm>> -> memref<8x512xf32, #tpu.memory_space<hbm>>
      %dma_start3A_49 = arith.constant 0 : i32
      %dma_start3A_50 = tpu.memref_slice %arg3[%run_scoped3A_4, %run_scoped3A_5, %mul3A_2, %dma_start3A_49] : memref<1x11x256x512xf32, #tpu.memory_space<hbm>> -> memref<1x1x8x512xf32, #tpu.memory_space<hbm>>
      %dma_start3A_51 = tpu.memref_squeeze %dma_start3A_50 : memref<1x1x8x512xf32, #tpu.memory_space<hbm>> -> memref<8x512xf32, #tpu.memory_space<hbm>>
      tpu.enqueue_dma source(%arg4 : memref<8x512xf32, #tpu.memory_space<vmem>>) target(%dma_start3A_51 : memref<8x512xf32, #tpu.memory_space<hbm>>) target_semaphore(%run_scoped3A_46 : memref<!tpu.dma_semaphore, #tpu.memory_space<semaphore_mem>>)
      %dma_wait3A = arith.constant 0 : i32
      %dma_wait3A_52 = tpu.memref_slice %arg3[%run_scoped3A_4, %run_scoped3A_5, %mul3A_2, %dma_wait3A] : memref<1x11x256x512xf32, #tpu.memory_space<hbm>> -> memref<1x1x8x512xf32, #tpu.memory_space<hbm>>
      %dma_wait3A_53 = tpu.memref_squeeze %dma_wait3A_52 : memref<1x1x8x512xf32, #tpu.memory_space<hbm>> -> memref<8x512xf32, #tpu.memory_space<hbm>>
      %dma_wait3A_54 = arith.constant 0 : i32
      %dma_wait3A_55 = tpu.memref_slice %arg3[%run_scoped3A_4, %run_scoped3A_5, %mul3A_2, %dma_wait3A_54] : memref<1x11x256x512xf32, #tpu.memory_space<hbm>> -> memref<1x1x8x512xf32, #tpu.memory_space<hbm>>
      %dma_wait3A_56 = tpu.memref_squeeze %dma_wait3A_55 : memref<1x1x8x512xf32, #tpu.memory_space<hbm>> -> memref<8x512xf32, #tpu.memory_space<hbm>>
      tpu.wait_dma2 semaphore(%run_scoped3A_46 : memref<!tpu.dma_semaphore, #tpu.memory_space<semaphore_mem>>) src(%arg4 : memref<8x512xf32, #tpu.memory_space<vmem>>) dst(%dma_wait3A_56 : memref<8x512xf32, #tpu.memory_space<hbm>>)
      tpu.yield
    }) : () -> ()
    %run_scoped3A_6 = arith.constant 0 : i32
    %run_scoped3A_7 = arith.constant 1 : i32
    "tpu.region"() ({
      %run_scoped3A_46 = tpu.sem_alloc : memref<!tpu.dma_semaphore, #tpu.memory_space<semaphore_mem>>
      %dma_start3A = arith.constant 0 : i32
      %dma_start3A_47 = tpu.memref_slice %arg2[%run_scoped3A_6, %run_scoped3A_7, %mul3A_2, %dma_start3A] : memref<1x19x256x512xf32, #tpu.memory_space<hbm>> -> memref<1x1x8x512xf32, #tpu.memory_space<hbm>>
      %dma_start3A_48 = tpu.memref_squeeze %dma_start3A_47 : memref<1x1x8x512xf32, #tpu.memory_space<hbm>> -> memref<8x512xf32, #tpu.memory_space<hbm>>
      %dma_start3A_49 = arith.constant 0 : i32
      %dma_start3A_50 = tpu.memref_slice %arg2[%run_scoped3A_6, %run_scoped3A_7, %mul3A_2, %dma_start3A_49] : memref<1x19x256x512xf32, #tpu.memory_space<hbm>> -> memref<1x1x8x512xf32, #tpu.memory_space<hbm>>
      %dma_start3A_51 = tpu.memref_squeeze %dma_start3A_50 : memref<1x1x8x512xf32, #tpu.memory_space<hbm>> -> memref<8x512xf32, #tpu.memory_space<hbm>>
      tpu.enqueue_dma source(%dma_start3A_51 : memref<8x512xf32, #tpu.memory_space<hbm>>) target(%arg4 : memref<8x512xf32, #tpu.memory_space<vmem>>) target_semaphore(%run_scoped3A_46 : memref<!tpu.dma_semaphore, #tpu.memory_space<semaphore_mem>>)
      %dma_wait3A = arith.constant 0 : i32
      %dma_wait3A_52 = tpu.memref_slice %arg2[%run_scoped3A_6, %run_scoped3A_7, %mul3A_2, %dma_wait3A] : memref<1x19x256x512xf32, #tpu.memory_space<hbm>> -> memref<1x1x8x512xf32, #tpu.memory_space<hbm>>
      %dma_wait3A_53 = tpu.memref_squeeze %dma_wait3A_52 : memref<1x1x8x512xf32, #tpu.memory_space<hbm>> -> memref<8x512xf32, #tpu.memory_space<hbm>>
      %dma_wait3A_54 = arith.constant 0 : i32
      %dma_wait3A_55 = tpu.memref_slice %arg2[%run_scoped3A_6, %run_scoped3A_7, %mul3A_2, %dma_wait3A_54] : memref<1x19x256x512xf32, #tpu.memory_space<hbm>> -> memref<1x1x8x512xf32, #tpu.memory_space<hbm>>
      %dma_wait3A_56 = tpu.memref_squeeze %dma_wait3A_55 : memref<1x1x8x512xf32, #tpu.memory_space<hbm>> -> memref<8x512xf32, #tpu.memory_space<hbm>>
      tpu.wait_dma2 semaphore(%run_scoped3A_46 : memref<!tpu.dma_semaphore, #tpu.memory_space<semaphore_mem>>) src(%dma_wait3A_56 : memref<8x512xf32, #tpu.memory_space<hbm>>) dst(%arg4 : memref<8x512xf32, #tpu.memory_space<vmem>>)
      tpu.yield
    }) : () -> ()
    %run_scoped3A_8 = arith.constant 0 : i32
    %run_scoped3A_9 = arith.constant 1 : i32
    "tpu.region"() ({
      %run_scoped3A_46 = tpu.sem_alloc : memref<!tpu.dma_semaphore, #tpu.memory_space<semaphore_mem>>
      %dma_start3A = arith.constant 0 : i32
      %dma_start3A_47 = tpu.memref_slice %arg3[%run_scoped3A_8, %run_scoped3A_9, %mul3A_2, %dma_start3A] : memref<1x11x256x512xf32, #tpu.memory_space<hbm>> -> memref<1x1x8x512xf32, #tpu.memory_space<hbm>>
      %dma_start3A_48 = tpu.memref_squeeze %dma_start3A_47 : memref<1x1x8x512xf32, #tpu.memory_space<hbm>> -> memref<8x512xf32, #tpu.memory_space<hbm>>
      %dma_start3A_49 = arith.constant 0 : i32
      %dma_start3A_50 = tpu.memref_slice %arg3[%run_scoped3A_8, %run_scoped3A_9, %mul3A_2, %dma_start3A_49] : memref<1x11x256x512xf32, #tpu.memory_space<hbm>> -> memref<1x1x8x512xf32, #tpu.memory_space<hbm>>
      %dma_start3A_51 = tpu.memref_squeeze %dma_start3A_50 : memref<1x1x8x512xf32, #tpu.memory_space<hbm>> -> memref<8x512xf32, #tpu.memory_space<hbm>>
      tpu.enqueue_dma source(%arg4 : memref<8x512xf32, #tpu.memory_space<vmem>>) target(%dma_start3A_51 : memref<8x512xf32, #tpu.memory_space<hbm>>) target_semaphore(%run_scoped3A_46 : memref<!tpu.dma_semaphore, #tpu.memory_space<semaphore_mem>>)
      %dma_wait3A = arith.constant 0 : i32
      %dma_wait3A_52 = tpu.memref_slice %arg3[%run_scoped3A_8, %run_scoped3A_9, %mul3A_2, %dma_wait3A] : memref<1x11x256x512xf32, #tpu.memory_space<hbm>> -> memref<1x1x8x512xf32, #tpu.memory_space<hbm>>
      %dma_wait3A_53 = tpu.memref_squeeze %dma_wait3A_52 : memref<1x1x8x512xf32, #tpu.memory_space<hbm>> -> memref<8x512xf32, #tpu.memory_space<hbm>>
      %dma_wait3A_54 = arith.constant 0 : i32
      %dma_wait3A_55 = tpu.memref_slice %arg3[%run_scoped3A_8, %run_scoped3A_9, %mul3A_2, %dma_wait3A_54] : memref<1x11x256x512xf32, #tpu.memory_space<hbm>> -> memref<1x1x8x512xf32, #tpu.memory_space<hbm>>
      %dma_wait3A_56 = tpu.memref_squeeze %dma_wait3A_55 : memref<1x1x8x512xf32, #tpu.memory_space<hbm>> -> memref<8x512xf32, #tpu.memory_space<hbm>>
      tpu.wait_dma2 semaphore(%run_scoped3A_46 : memref<!tpu.dma_semaphore, #tpu.memory_space<semaphore_mem>>) src(%arg4 : memref<8x512xf32, #tpu.memory_space<vmem>>) dst(%dma_wait3A_56 : memref<8x512xf32, #tpu.memory_space<hbm>>)
      tpu.yield
    }) : () -> ()
    %run_scoped3A_10 = arith.constant 0 : i32
    %run_scoped3A_11 = arith.constant 2 : i32
    "tpu.region"() ({
      %run_scoped3A_46 = tpu.sem_alloc : memref<!tpu.dma_semaphore, #tpu.memory_space<semaphore_mem>>
      %dma_start3A = arith.constant 0 : i32
      %dma_start3A_47 = tpu.memref_slice %arg2[%run_scoped3A_10, %run_scoped3A_11, %mul3A_2, %dma_start3A] : memref<1x19x256x512xf32, #tpu.memory_space<hbm>> -> memref<1x1x8x512xf32, #tpu.memory_space<hbm>>
      %dma_start3A_48 = tpu.memref_squeeze %dma_start3A_47 : memref<1x1x8x512xf32, #tpu.memory_space<hbm>> -> memref<8x512xf32, #tpu.memory_space<hbm>>
      %dma_start3A_49 = arith.constant 0 : i32
      %dma_start3A_50 = tpu.memref_slice %arg2[%run_scoped3A_10, %run_scoped3A_11, %mul3A_2, %dma_start3A_49] : memref<1x19x256x512xf32, #tpu.memory_space<hbm>> -> memref<1x1x8x512xf32, #tpu.memory_space<hbm>>
      %dma_start3A_51 = tpu.memref_squeeze %dma_start3A_50 : memref<1x1x8x512xf32, #tpu.memory_space<hbm>> -> memref<8x512xf32, #tpu.memory_space<hbm>>
      tpu.enqueue_dma source(%dma_start3A_51 : memref<8x512xf32, #tpu.memory_space<hbm>>) target(%arg4 : memref<8x512xf32, #tpu.memory_space<vmem>>) target_semaphore(%run_scoped3A_46 : memref<!tpu.dma_semaphore, #tpu.memory_space<semaphore_mem>>)
      %dma_wait3A = arith.constant 0 : i32
      %dma_wait3A_52 = tpu.memref_slice %arg2[%run_scoped3A_10, %run_scoped3A_11, %mul3A_2, %dma_wait3A] : memref<1x19x256x512xf32, #tpu.memory_space<hbm>> -> memref<1x1x8x512xf32, #tpu.memory_space<hbm>>
      %dma_wait3A_53 = tpu.memref_squeeze %dma_wait3A_52 : memref<1x1x8x512xf32, #tpu.memory_space<hbm>> -> memref<8x512xf32, #tpu.memory_space<hbm>>
      %dma_wait3A_54 = arith.constant 0 : i32
      %dma_wait3A_55 = tpu.memref_slice %arg2[%run_scoped3A_10, %run_scoped3A_11, %mul3A_2, %dma_wait3A_54] : memref<1x19x256x512xf32, #tpu.memory_space<hbm>> -> memref<1x1x8x512xf32, #tpu.memory_space<hbm>>
      %dma_wait3A_56 = tpu.memref_squeeze %dma_wait3A_55 : memref<1x1x8x512xf32, #tpu.memory_space<hbm>> -> memref<8x512xf32, #tpu.memory_space<hbm>>
      tpu.wait_dma2 semaphore(%run_scoped3A_46 : memref<!tpu.dma_semaphore, #tpu.memory_space<semaphore_mem>>) src(%dma_wait3A_56 : memref<8x512xf32, #tpu.memory_space<hbm>>) dst(%arg4 : memref<8x512xf32, #tpu.memory_space<vmem>>)
      tpu.yield
    }) : () -> ()
    %run_scoped3A_12 = arith.constant 0 : i32
    %run_scoped3A_13 = arith.constant 2 : i32
    "tpu.region"() ({
      %run_scoped3A_46 = tpu.sem_alloc : memref<!tpu.dma_semaphore, #tpu.memory_space<semaphore_mem>>
      %dma_start3A = arith.constant 0 : i32
      %dma_start3A_47 = tpu.memref_slice %arg3[%run_scoped3A_12, %run_scoped3A_13, %mul3A_2, %dma_start3A] : memref<1x11x256x512xf32, #tpu.memory_space<hbm>> -> memref<1x1x8x512xf32, #tpu.memory_space<hbm>>
      %dma_start3A_48 = tpu.memref_squeeze %dma_start3A_47 : memref<1x1x8x512xf32, #tpu.memory_space<hbm>> -> memref<8x512xf32, #tpu.memory_space<hbm>>
      %dma_start3A_49 = arith.constant 0 : i32
      %dma_start3A_50 = tpu.memref_slice %arg3[%run_scoped3A_12, %run_scoped3A_13, %mul3A_2, %dma_start3A_49] : memref<1x11x256x512xf32, #tpu.memory_space<hbm>> -> memref<1x1x8x512xf32, #tpu.memory_space<hbm>>
      %dma_start3A_51 = tpu.memref_squeeze %dma_start3A_50 : memref<1x1x8x512xf32, #tpu.memory_space<hbm>> -> memref<8x512xf32, #tpu.memory_space<hbm>>
      tpu.enqueue_dma source(%arg4 : memref<8x512xf32, #tpu.memory_space<vmem>>) target(%dma_start3A_51 : memref<8x512xf32, #tpu.memory_space<hbm>>) target_semaphore(%run_scoped3A_46 : memref<!tpu.dma_semaphore, #tpu.memory_space<semaphore_mem>>)
      %dma_wait3A = arith.constant 0 : i32
      %dma_wait3A_52 = tpu.memref_slice %arg3[%run_scoped3A_12, %run_scoped3A_13, %mul3A_2, %dma_wait3A] : memref<1x11x256x512xf32, #tpu.memory_space<hbm>> -> memref<1x1x8x512xf32, #tpu.memory_space<hbm>>
      %dma_wait3A_53 = tpu.memref_squeeze %dma_wait3A_52 : memref<1x1x8x512xf32, #tpu.memory_space<hbm>> -> memref<8x512xf32, #tpu.memory_space<hbm>>
      %dma_wait3A_54 = arith.constant 0 : i32
      %dma_wait3A_55 = tpu.memref_slice %arg3[%run_scoped3A_12, %run_scoped3A_13, %mul3A_2, %dma_wait3A_54] : memref<1x11x256x512xf32, #tpu.memory_space<hbm>> -> memref<1x1x8x512xf32, #tpu.memory_space<hbm>>
      %dma_wait3A_56 = tpu.memref_squeeze %dma_wait3A_55 : memref<1x1x8x512xf32, #tpu.memory_space<hbm>> -> memref<8x512xf32, #tpu.memory_space<hbm>>
      tpu.wait_dma2 semaphore(%run_scoped3A_46 : memref<!tpu.dma_semaphore, #tpu.memory_space<semaphore_mem>>) src(%arg4 : memref<8x512xf32, #tpu.memory_space<vmem>>) dst(%dma_wait3A_56 : memref<8x512xf32, #tpu.memory_space<hbm>>)
      tpu.yield
    }) : () -> ()
    %run_scoped3A_14 = arith.constant 0 : i32
    %run_scoped3A_15 = arith.constant 3 : i32
    "tpu.region"() ({
      %run_scoped3A_46 = tpu.sem_alloc : memref<!tpu.dma_semaphore, #tpu.memory_space<semaphore_mem>>
      %dma_start3A = arith.constant 0 : i32
      %dma_start3A_47 = tpu.memref_slice %arg2[%run_scoped3A_14, %run_scoped3A_15, %mul3A_2, %dma_start3A] : memref<1x19x256x512xf32, #tpu.memory_space<hbm>> -> memref<1x1x8x512xf32, #tpu.memory_space<hbm>>
      %dma_start3A_48 = tpu.memref_squeeze %dma_start3A_47 : memref<1x1x8x512xf32, #tpu.memory_space<hbm>> -> memref<8x512xf32, #tpu.memory_space<hbm>>
      %dma_start3A_49 = arith.constant 0 : i32
      %dma_start3A_50 = tpu.memref_slice %arg2[%run_scoped3A_14, %run_scoped3A_15, %mul3A_2, %dma_start3A_49] : memref<1x19x256x512xf32, #tpu.memory_space<hbm>> -> memref<1x1x8x512xf32, #tpu.memory_space<hbm>>
      %dma_start3A_51 = tpu.memref_squeeze %dma_start3A_50 : memref<1x1x8x512xf32, #tpu.memory_space<hbm>> -> memref<8x512xf32, #tpu.memory_space<hbm>>
      tpu.enqueue_dma source(%dma_start3A_51 : memref<8x512xf32, #tpu.memory_space<hbm>>) target(%arg4 : memref<8x512xf32, #tpu.memory_space<vmem>>) target_semaphore(%run_scoped3A_46 : memref<!tpu.dma_semaphore, #tpu.memory_space<semaphore_mem>>)
      %dma_wait3A = arith.constant 0 : i32
      %dma_wait3A_52 = tpu.memref_slice %arg2[%run_scoped3A_14, %run_scoped3A_15, %mul3A_2, %dma_wait3A] : memref<1x19x256x512xf32, #tpu.memory_space<hbm>> -> memref<1x1x8x512xf32, #tpu.memory_space<hbm>>
      %dma_wait3A_53 = tpu.memref_squeeze %dma_wait3A_52 : memref<1x1x8x512xf32, #tpu.memory_space<hbm>> -> memref<8x512xf32, #tpu.memory_space<hbm>>
      %dma_wait3A_54 = arith.constant 0 : i32
      %dma_wait3A_55 = tpu.memref_slice %arg2[%run_scoped3A_14, %run_scoped3A_15, %mul3A_2, %dma_wait3A_54] : memref<1x19x256x512xf32, #tpu.memory_space<hbm>> -> memref<1x1x8x512xf32, #tpu.memory_space<hbm>>
      %dma_wait3A_56 = tpu.memref_squeeze %dma_wait3A_55 : memref<1x1x8x512xf32, #tpu.memory_space<hbm>> -> memref<8x512xf32, #tpu.memory_space<hbm>>
      tpu.wait_dma2 semaphore(%run_scoped3A_46 : memref<!tpu.dma_semaphore, #tpu.memory_space<semaphore_mem>>) src(%dma_wait3A_56 : memref<8x512xf32, #tpu.memory_space<hbm>>) dst(%arg4 : memref<8x512xf32, #tpu.memory_space<vmem>>)
      tpu.yield
    }) : () -> ()
    %run_scoped3A_16 = arith.constant 0 : i32
    %run_scoped3A_17 = arith.constant 3 : i32
    "tpu.region"() ({
      %run_scoped3A_46 = tpu.sem_alloc : memref<!tpu.dma_semaphore, #tpu.memory_space<semaphore_mem>>
      %dma_start3A = arith.constant 0 : i32
      %dma_start3A_47 = tpu.memref_slice %arg3[%run_scoped3A_16, %run_scoped3A_17, %mul3A_2, %dma_start3A] : memref<1x11x256x512xf32, #tpu.memory_space<hbm>> -> memref<1x1x8x512xf32, #tpu.memory_space<hbm>>
      %dma_start3A_48 = tpu.memref_squeeze %dma_start3A_47 : memref<1x1x8x512xf32, #tpu.memory_space<hbm>> -> memref<8x512xf32, #tpu.memory_space<hbm>>
      %dma_start3A_49 = arith.constant 0 : i32
      %dma_start3A_50 = tpu.memref_slice %arg3[%run_scoped3A_16, %run_scoped3A_17, %mul3A_2, %dma_start3A_49] : memref<1x11x256x512xf32, #tpu.memory_space<hbm>> -> memref<1x1x8x512xf32, #tpu.memory_space<hbm>>
      %dma_start3A_51 = tpu.memref_squeeze %dma_start3A_50 : memref<1x1x8x512xf32, #tpu.memory_space<hbm>> -> memref<8x512xf32, #tpu.memory_space<hbm>>
      tpu.enqueue_dma source(%arg4 : memref<8x512xf32, #tpu.memory_space<vmem>>) target(%dma_start3A_51 : memref<8x512xf32, #tpu.memory_space<hbm>>) target_semaphore(%run_scoped3A_46 : memref<!tpu.dma_semaphore, #tpu.memory_space<semaphore_mem>>)
      %dma_wait3A = arith.constant 0 : i32
      %dma_wait3A_52 = tpu.memref_slice %arg3[%run_scoped3A_16, %run_scoped3A_17, %mul3A_2, %dma_wait3A] : memref<1x11x256x512xf32, #tpu.memory_space<hbm>> -> memref<1x1x8x512xf32, #tpu.memory_space<hbm>>
      %dma_wait3A_53 = tpu.memref_squeeze %dma_wait3A_52 : memref<1x1x8x512xf32, #tpu.memory_space<hbm>> -> memref<8x512xf32, #tpu.memory_space<hbm>>
      %dma_wait3A_54 = arith.constant 0 : i32
      %dma_wait3A_55 = tpu.memref_slice %arg3[%run_scoped3A_16, %run_scoped3A_17, %mul3A_2, %dma_wait3A_54] : memref<1x11x256x512xf32, #tpu.memory_space<hbm>> -> memref<1x1x8x512xf32, #tpu.memory_space<hbm>>
      %dma_wait3A_56 = tpu.memref_squeeze %dma_wait3A_55 : memref<1x1x8x512xf32, #tpu.memory_space<hbm>> -> memref<8x512xf32, #tpu.memory_space<hbm>>
      tpu.wait_dma2 semaphore(%run_scoped3A_46 : memref<!tpu.dma_semaphore, #tpu.memory_space<semaphore_mem>>) src(%arg4 : memref<8x512xf32, #tpu.memory_space<vmem>>) dst(%dma_wait3A_56 : memref<8x512xf32, #tpu.memory_space<hbm>>)
      tpu.yield
    }) : () -> ()
    %run_scoped3A_18 = arith.constant 0 : i32
    %run_scoped3A_19 = arith.constant 4 : i32
    "tpu.region"() ({
      %run_scoped3A_46 = tpu.sem_alloc : memref<!tpu.dma_semaphore, #tpu.memory_space<semaphore_mem>>
      %dma_start3A = arith.constant 0 : i32
      %dma_start3A_47 = tpu.memref_slice %arg2[%run_scoped3A_18, %run_scoped3A_19, %mul3A_2, %dma_start3A] : memref<1x19x256x512xf32, #tpu.memory_space<hbm>> -> memref<1x1x8x512xf32, #tpu.memory_space<hbm>>
      %dma_start3A_48 = tpu.memref_squeeze %dma_start3A_47 : memref<1x1x8x512xf32, #tpu.memory_space<hbm>> -> memref<8x512xf32, #tpu.memory_space<hbm>>
      %dma_start3A_49 = arith.constant 0 : i32
      %dma_start3A_50 = tpu.memref_slice %arg2[%run_scoped3A_18, %run_scoped3A_19, %mul3A_2, %dma_start3A_49] : memref<1x19x256x512xf32, #tpu.memory_space<hbm>> -> memref<1x1x8x512xf32, #tpu.memory_space<hbm>>
      %dma_start3A_51 = tpu.memref_squeeze %dma_start3A_50 : memref<1x1x8x512xf32, #tpu.memory_space<hbm>> -> memref<8x512xf32, #tpu.memory_space<hbm>>
      tpu.enqueue_dma source(%dma_start3A_51 : memref<8x512xf32, #tpu.memory_space<hbm>>) target(%arg4 : memref<8x512xf32, #tpu.memory_space<vmem>>) target_semaphore(%run_scoped3A_46 : memref<!tpu.dma_semaphore, #tpu.memory_space<semaphore_mem>>)
      %dma_wait3A = arith.constant 0 : i32
      %dma_wait3A_52 = tpu.memref_slice %arg2[%run_scoped3A_18, %run_scoped3A_19, %mul3A_2, %dma_wait3A] : memref<1x19x256x512xf32, #tpu.memory_space<hbm>> -> memref<1x1x8x512xf32, #tpu.memory_space<hbm>>
      %dma_wait3A_53 = tpu.memref_squeeze %dma_wait3A_52 : memref<1x1x8x512xf32, #tpu.memory_space<hbm>> -> memref<8x512xf32, #tpu.memory_space<hbm>>
      %dma_wait3A_54 = arith.constant 0 : i32
      %dma_wait3A_55 = tpu.memref_slice %arg2[%run_scoped3A_18, %run_scoped3A_19, %mul3A_2, %dma_wait3A_54] : memref<1x19x256x512xf32, #tpu.memory_space<hbm>> -> memref<1x1x8x512xf32, #tpu.memory_space<hbm>>
      %dma_wait3A_56 = tpu.memref_squeeze %dma_wait3A_55 : memref<1x1x8x512xf32, #tpu.memory_space<hbm>> -> memref<8x512xf32, #tpu.memory_space<hbm>>
      tpu.wait_dma2 semaphore(%run_scoped3A_46 : memref<!tpu.dma_semaphore, #tpu.memory_space<semaphore_mem>>) src(%dma_wait3A_56 : memref<8x512xf32, #tpu.memory_space<hbm>>) dst(%arg4 : memref<8x512xf32, #tpu.memory_space<vmem>>)
      tpu.yield
    }) : () -> ()
    %run_scoped3A_20 = arith.constant 0 : i32
    %run_scoped3A_21 = arith.constant 4 : i32
    "tpu.region"() ({
      %run_scoped3A_46 = tpu.sem_alloc : memref<!tpu.dma_semaphore, #tpu.memory_space<semaphore_mem>>
      %dma_start3A = arith.constant 0 : i32
      %dma_start3A_47 = tpu.memref_slice %arg3[%run_scoped3A_20, %run_scoped3A_21, %mul3A_2, %dma_start3A] : memref<1x11x256x512xf32, #tpu.memory_space<hbm>> -> memref<1x1x8x512xf32, #tpu.memory_space<hbm>>
      %dma_start3A_48 = tpu.memref_squeeze %dma_start3A_47 : memref<1x1x8x512xf32, #tpu.memory_space<hbm>> -> memref<8x512xf32, #tpu.memory_space<hbm>>
      %dma_start3A_49 = arith.constant 0 : i32
      %dma_start3A_50 = tpu.memref_slice %arg3[%run_scoped3A_20, %run_scoped3A_21, %mul3A_2, %dma_start3A_49] : memref<1x11x256x512xf32, #tpu.memory_space<hbm>> -> memref<1x1x8x512xf32, #tpu.memory_space<hbm>>
      %dma_start3A_51 = tpu.memref_squeeze %dma_start3A_50 : memref<1x1x8x512xf32, #tpu.memory_space<hbm>> -> memref<8x512xf32, #tpu.memory_space<hbm>>
      tpu.enqueue_dma source(%arg4 : memref<8x512xf32, #tpu.memory_space<vmem>>) target(%dma_start3A_51 : memref<8x512xf32, #tpu.memory_space<hbm>>) target_semaphore(%run_scoped3A_46 : memref<!tpu.dma_semaphore, #tpu.memory_space<semaphore_mem>>)
      %dma_wait3A = arith.constant 0 : i32
      %dma_wait3A_52 = tpu.memref_slice %arg3[%run_scoped3A_20, %run_scoped3A_21, %mul3A_2, %dma_wait3A] : memref<1x11x256x512xf32, #tpu.memory_space<hbm>> -> memref<1x1x8x512xf32, #tpu.memory_space<hbm>>
      %dma_wait3A_53 = tpu.memref_squeeze %dma_wait3A_52 : memref<1x1x8x512xf32, #tpu.memory_space<hbm>> -> memref<8x512xf32, #tpu.memory_space<hbm>>
      %dma_wait3A_54 = arith.constant 0 : i32
      %dma_wait3A_55 = tpu.memref_slice %arg3[%run_scoped3A_20, %run_scoped3A_21, %mul3A_2, %dma_wait3A_54] : memref<1x11x256x512xf32, #tpu.memory_space<hbm>> -> memref<1x1x8x512xf32, #tpu.memory_space<hbm>>
      %dma_wait3A_56 = tpu.memref_squeeze %dma_wait3A_55 : memref<1x1x8x512xf32, #tpu.memory_space<hbm>> -> memref<8x512xf32, #tpu.memory_space<hbm>>
      tpu.wait_dma2 semaphore(%run_scoped3A_46 : memref<!tpu.dma_semaphore, #tpu.memory_space<semaphore_mem>>) src(%arg4 : memref<8x512xf32, #tpu.memory_space<vmem>>) dst(%dma_wait3A_56 : memref<8x512xf32, #tpu.memory_space<hbm>>)
      tpu.yield
    }) : () -> ()
    %run_scoped3A_22 = arith.constant 0 : i32
    %run_scoped3A_23 = arith.constant 5 : i32
    "tpu.region"() ({
      %run_scoped3A_46 = tpu.sem_alloc : memref<!tpu.dma_semaphore, #tpu.memory_space<semaphore_mem>>
      %dma_start3A = arith.constant 0 : i32
      %dma_start3A_47 = tpu.memref_slice %arg2[%run_scoped3A_22, %run_scoped3A_23, %mul3A_2, %dma_start3A] : memref<1x19x256x512xf32, #tpu.memory_space<hbm>> -> memref<1x1x8x512xf32, #tpu.memory_space<hbm>>
      %dma_start3A_48 = tpu.memref_squeeze %dma_start3A_47 : memref<1x1x8x512xf32, #tpu.memory_space<hbm>> -> memref<8x512xf32, #tpu.memory_space<hbm>>
      %dma_start3A_49 = arith.constant 0 : i32
      %dma_start3A_50 = tpu.memref_slice %arg2[%run_scoped3A_22, %run_scoped3A_23, %mul3A_2, %dma_start3A_49] : memref<1x19x256x512xf32, #tpu.memory_space<hbm>> -> memref<1x1x8x512xf32, #tpu.memory_space<hbm>>
      %dma_start3A_51 = tpu.memref_squeeze %dma_start3A_50 : memref<1x1x8x512xf32, #tpu.memory_space<hbm>> -> memref<8x512xf32, #tpu.memory_space<hbm>>
      tpu.enqueue_dma source(%dma_start3A_51 : memref<8x512xf32, #tpu.memory_space<hbm>>) target(%arg4 : memref<8x512xf32, #tpu.memory_space<vmem>>) target_semaphore(%run_scoped3A_46 : memref<!tpu.dma_semaphore, #tpu.memory_space<semaphore_mem>>)
      %dma_wait3A = arith.constant 0 : i32
      %dma_wait3A_52 = tpu.memref_slice %arg2[%run_scoped3A_22, %run_scoped3A_23, %mul3A_2, %dma_wait3A] : memref<1x19x256x512xf32, #tpu.memory_space<hbm>> -> memref<1x1x8x512xf32, #tpu.memory_space<hbm>>
      %dma_wait3A_53 = tpu.memref_squeeze %dma_wait3A_52 : memref<1x1x8x512xf32, #tpu.memory_space<hbm>> -> memref<8x512xf32, #tpu.memory_space<hbm>>
      %dma_wait3A_54 = arith.constant 0 : i32
      %dma_wait3A_55 = tpu.memref_slice %arg2[%run_scoped3A_22, %run_scoped3A_23, %mul3A_2, %dma_wait3A_54] : memref<1x19x256x512xf32, #tpu.memory_space<hbm>> -> memref<1x1x8x512xf32, #tpu.memory_space<hbm>>
      %dma_wait3A_56 = tpu.memref_squeeze %dma_wait3A_55 : memref<1x1x8x512xf32, #tpu.memory_space<hbm>> -> memref<8x512xf32, #tpu.memory_space<hbm>>
      tpu.wait_dma2 semaphore(%run_scoped3A_46 : memref<!tpu.dma_semaphore, #tpu.memory_space<semaphore_mem>>) src(%dma_wait3A_56 : memref<8x512xf32, #tpu.memory_space<hbm>>) dst(%arg4 : memref<8x512xf32, #tpu.memory_space<vmem>>)
      tpu.yield
    }) : () -> ()
    %run_scoped3A_24 = arith.constant 0 : i32
    %run_scoped3A_25 = arith.constant 5 : i32
    "tpu.region"() ({
      %run_scoped3A_46 = tpu.sem_alloc : memref<!tpu.dma_semaphore, #tpu.memory_space<semaphore_mem>>
      %dma_start3A = arith.constant 0 : i32
      %dma_start3A_47 = tpu.memref_slice %arg3[%run_scoped3A_24, %run_scoped3A_25, %mul3A_2, %dma_start3A] : memref<1x11x256x512xf32, #tpu.memory_space<hbm>> -> memref<1x1x8x512xf32, #tpu.memory_space<hbm>>
      %dma_start3A_48 = tpu.memref_squeeze %dma_start3A_47 : memref<1x1x8x512xf32, #tpu.memory_space<hbm>> -> memref<8x512xf32, #tpu.memory_space<hbm>>
      %dma_start3A_49 = arith.constant 0 : i32
      %dma_start3A_50 = tpu.memref_slice %arg3[%run_scoped3A_24, %run_scoped3A_25, %mul3A_2, %dma_start3A_49] : memref<1x11x256x512xf32, #tpu.memory_space<hbm>> -> memref<1x1x8x512xf32, #tpu.memory_space<hbm>>
      %dma_start3A_51 = tpu.memref_squeeze %dma_start3A_50 : memref<1x1x8x512xf32, #tpu.memory_space<hbm>> -> memref<8x512xf32, #tpu.memory_space<hbm>>
      tpu.enqueue_dma source(%arg4 : memref<8x512xf32, #tpu.memory_space<vmem>>) target(%dma_start3A_51 : memref<8x512xf32, #tpu.memory_space<hbm>>) target_semaphore(%run_scoped3A_46 : memref<!tpu.dma_semaphore, #tpu.memory_space<semaphore_mem>>)
      %dma_wait3A = arith.constant 0 : i32
      %dma_wait3A_52 = tpu.memref_slice %arg3[%run_scoped3A_24, %run_scoped3A_25, %mul3A_2, %dma_wait3A] : memref<1x11x256x512xf32, #tpu.memory_space<hbm>> -> memref<1x1x8x512xf32, #tpu.memory_space<hbm>>
      %dma_wait3A_53 = tpu.memref_squeeze %dma_wait3A_52 : memref<1x1x8x512xf32, #tpu.memory_space<hbm>> -> memref<8x512xf32, #tpu.memory_space<hbm>>
      %dma_wait3A_54 = arith.constant 0 : i32
      %dma_wait3A_55 = tpu.memref_slice %arg3[%run_scoped3A_24, %run_scoped3A_25, %mul3A_2, %dma_wait3A_54] : memref<1x11x256x512xf32, #tpu.memory_space<hbm>> -> memref<1x1x8x512xf32, #tpu.memory_space<hbm>>
      %dma_wait3A_56 = tpu.memref_squeeze %dma_wait3A_55 : memref<1x1x8x512xf32, #tpu.memory_space<hbm>> -> memref<8x512xf32, #tpu.memory_space<hbm>>
      tpu.wait_dma2 semaphore(%run_scoped3A_46 : memref<!tpu.dma_semaphore, #tpu.memory_space<semaphore_mem>>) src(%arg4 : memref<8x512xf32, #tpu.memory_space<vmem>>) dst(%dma_wait3A_56 : memref<8x512xf32, #tpu.memory_space<hbm>>)
      tpu.yield
    }) : () -> ()
    %run_scoped3A_26 = arith.constant 0 : i32
    %run_scoped3A_27 = arith.constant 6 : i32
    "tpu.region"() ({
      %run_scoped3A_46 = tpu.sem_alloc : memref<!tpu.dma_semaphore, #tpu.memory_space<semaphore_mem>>
      %dma_start3A = arith.constant 0 : i32
      %dma_start3A_47 = tpu.memref_slice %arg2[%run_scoped3A_26, %run_scoped3A_27, %mul3A_2, %dma_start3A] : memref<1x19x256x512xf32, #tpu.memory_space<hbm>> -> memref<1x1x8x512xf32, #tpu.memory_space<hbm>>
      %dma_start3A_48 = tpu.memref_squeeze %dma_start3A_47 : memref<1x1x8x512xf32, #tpu.memory_space<hbm>> -> memref<8x512xf32, #tpu.memory_space<hbm>>
      %dma_start3A_49 = arith.constant 0 : i32
      %dma_start3A_50 = tpu.memref_slice %arg2[%run_scoped3A_26, %run_scoped3A_27, %mul3A_2, %dma_start3A_49] : memref<1x19x256x512xf32, #tpu.memory_space<hbm>> -> memref<1x1x8x512xf32, #tpu.memory_space<hbm>>
      %dma_start3A_51 = tpu.memref_squeeze %dma_start3A_50 : memref<1x1x8x512xf32, #tpu.memory_space<hbm>> -> memref<8x512xf32, #tpu.memory_space<hbm>>
      tpu.enqueue_dma source(%dma_start3A_51 : memref<8x512xf32, #tpu.memory_space<hbm>>) target(%arg4 : memref<8x512xf32, #tpu.memory_space<vmem>>) target_semaphore(%run_scoped3A_46 : memref<!tpu.dma_semaphore, #tpu.memory_space<semaphore_mem>>)
      %dma_wait3A = arith.constant 0 : i32
      %dma_wait3A_52 = tpu.memref_slice %arg2[%run_scoped3A_26, %run_scoped3A_27, %mul3A_2, %dma_wait3A] : memref<1x19x256x512xf32, #tpu.memory_space<hbm>> -> memref<1x1x8x512xf32, #tpu.memory_space<hbm>>
      %dma_wait3A_53 = tpu.memref_squeeze %dma_wait3A_52 : memref<1x1x8x512xf32, #tpu.memory_space<hbm>> -> memref<8x512xf32, #tpu.memory_space<hbm>>
      %dma_wait3A_54 = arith.constant 0 : i32
      %dma_wait3A_55 = tpu.memref_slice %arg2[%run_scoped3A_26, %run_scoped3A_27, %mul3A_2, %dma_wait3A_54] : memref<1x19x256x512xf32, #tpu.memory_space<hbm>> -> memref<1x1x8x512xf32, #tpu.memory_space<hbm>>
      %dma_wait3A_56 = tpu.memref_squeeze %dma_wait3A_55 : memref<1x1x8x512xf32, #tpu.memory_space<hbm>> -> memref<8x512xf32, #tpu.memory_space<hbm>>
      tpu.wait_dma2 semaphore(%run_scoped3A_46 : memref<!tpu.dma_semaphore, #tpu.memory_space<semaphore_mem>>) src(%dma_wait3A_56 : memref<8x512xf32, #tpu.memory_space<hbm>>) dst(%arg4 : memref<8x512xf32, #tpu.memory_space<vmem>>)
      tpu.yield
    }) : () -> ()
    %run_scoped3A_28 = arith.constant 0 : i32
    %run_scoped3A_29 = arith.constant 6 : i32
    "tpu.region"() ({
      %run_scoped3A_46 = tpu.sem_alloc : memref<!tpu.dma_semaphore, #tpu.memory_space<semaphore_mem>>
      %dma_start3A = arith.constant 0 : i32
      %dma_start3A_47 = tpu.memref_slice %arg3[%run_scoped3A_28, %run_scoped3A_29, %mul3A_2, %dma_start3A] : memref<1x11x256x512xf32, #tpu.memory_space<hbm>> -> memref<1x1x8x512xf32, #tpu.memory_space<hbm>>
      %dma_start3A_48 = tpu.memref_squeeze %dma_start3A_47 : memref<1x1x8x512xf32, #tpu.memory_space<hbm>> -> memref<8x512xf32, #tpu.memory_space<hbm>>
      %dma_start3A_49 = arith.constant 0 : i32
      %dma_start3A_50 = tpu.memref_slice %arg3[%run_scoped3A_28, %run_scoped3A_29, %mul3A_2, %dma_start3A_49] : memref<1x11x256x512xf32, #tpu.memory_space<hbm>> -> memref<1x1x8x512xf32, #tpu.memory_space<hbm>>
      %dma_start3A_51 = tpu.memref_squeeze %dma_start3A_50 : memref<1x1x8x512xf32, #tpu.memory_space<hbm>> -> memref<8x512xf32, #tpu.memory_space<hbm>>
      tpu.enqueue_dma source(%arg4 : memref<8x512xf32, #tpu.memory_space<vmem>>) target(%dma_start3A_51 : memref<8x512xf32, #tpu.memory_space<hbm>>) target_semaphore(%run_scoped3A_46 : memref<!tpu.dma_semaphore, #tpu.memory_space<semaphore_mem>>)
      %dma_wait3A = arith.constant 0 : i32
      %dma_wait3A_52 = tpu.memref_slice %arg3[%run_scoped3A_28, %run_scoped3A_29, %mul3A_2, %dma_wait3A] : memref<1x11x256x512xf32, #tpu.memory_space<hbm>> -> memref<1x1x8x512xf32, #tpu.memory_space<hbm>>
      %dma_wait3A_53 = tpu.memref_squeeze %dma_wait3A_52 : memref<1x1x8x512xf32, #tpu.memory_space<hbm>> -> memref<8x512xf32, #tpu.memory_space<hbm>>
      %dma_wait3A_54 = arith.constant 0 : i32
      %dma_wait3A_55 = tpu.memref_slice %arg3[%run_scoped3A_28, %run_scoped3A_29, %mul3A_2, %dma_wait3A_54] : memref<1x11x256x512xf32, #tpu.memory_space<hbm>> -> memref<1x1x8x512xf32, #tpu.memory_space<hbm>>
      %dma_wait3A_56 = tpu.memref_squeeze %dma_wait3A_55 : memref<1x1x8x512xf32, #tpu.memory_space<hbm>> -> memref<8x512xf32, #tpu.memory_space<hbm>>
      tpu.wait_dma2 semaphore(%run_scoped3A_46 : memref<!tpu.dma_semaphore, #tpu.memory_space<semaphore_mem>>) src(%arg4 : memref<8x512xf32, #tpu.memory_space<vmem>>) dst(%dma_wait3A_56 : memref<8x512xf32, #tpu.memory_space<hbm>>)
      tpu.yield
    }) : () -> ()
    %run_scoped3A_30 = arith.constant 0 : i32
    %run_scoped3A_31 = arith.constant 7 : i32
    "tpu.region"() ({
      %run_scoped3A_46 = tpu.sem_alloc : memref<!tpu.dma_semaphore, #tpu.memory_space<semaphore_mem>>
      %dma_start3A = arith.constant 0 : i32
      %dma_start3A_47 = tpu.memref_slice %arg2[%run_scoped3A_30, %run_scoped3A_31, %mul3A_2, %dma_start3A] : memref<1x19x256x512xf32, #tpu.memory_space<hbm>> -> memref<1x1x8x512xf32, #tpu.memory_space<hbm>>
      %dma_start3A_48 = tpu.memref_squeeze %dma_start3A_47 : memref<1x1x8x512xf32, #tpu.memory_space<hbm>> -> memref<8x512xf32, #tpu.memory_space<hbm>>
      %dma_start3A_49 = arith.constant 0 : i32
      %dma_start3A_50 = tpu.memref_slice %arg2[%run_scoped3A_30, %run_scoped3A_31, %mul3A_2, %dma_start3A_49] : memref<1x19x256x512xf32, #tpu.memory_space<hbm>> -> memref<1x1x8x512xf32, #tpu.memory_space<hbm>>
      %dma_start3A_51 = tpu.memref_squeeze %dma_start3A_50 : memref<1x1x8x512xf32, #tpu.memory_space<hbm>> -> memref<8x512xf32, #tpu.memory_space<hbm>>
      tpu.enqueue_dma source(%dma_start3A_51 : memref<8x512xf32, #tpu.memory_space<hbm>>) target(%arg4 : memref<8x512xf32, #tpu.memory_space<vmem>>) target_semaphore(%run_scoped3A_46 : memref<!tpu.dma_semaphore, #tpu.memory_space<semaphore_mem>>)
      %dma_wait3A = arith.constant 0 : i32
      %dma_wait3A_52 = tpu.memref_slice %arg2[%run_scoped3A_30, %run_scoped3A_31, %mul3A_2, %dma_wait3A] : memref<1x19x256x512xf32, #tpu.memory_space<hbm>> -> memref<1x1x8x512xf32, #tpu.memory_space<hbm>>
      %dma_wait3A_53 = tpu.memref_squeeze %dma_wait3A_52 : memref<1x1x8x512xf32, #tpu.memory_space<hbm>> -> memref<8x512xf32, #tpu.memory_space<hbm>>
      %dma_wait3A_54 = arith.constant 0 : i32
      %dma_wait3A_55 = tpu.memref_slice %arg2[%run_scoped3A_30, %run_scoped3A_31, %mul3A_2, %dma_wait3A_54] : memref<1x19x256x512xf32, #tpu.memory_space<hbm>> -> memref<1x1x8x512xf32, #tpu.memory_space<hbm>>
      %dma_wait3A_56 = tpu.memref_squeeze %dma_wait3A_55 : memref<1x1x8x512xf32, #tpu.memory_space<hbm>> -> memref<8x512xf32, #tpu.memory_space<hbm>>
      tpu.wait_dma2 semaphore(%run_scoped3A_46 : memref<!tpu.dma_semaphore, #tpu.memory_space<semaphore_mem>>) src(%dma_wait3A_56 : memref<8x512xf32, #tpu.memory_space<hbm>>) dst(%arg4 : memref<8x512xf32, #tpu.memory_space<vmem>>)
      tpu.yield
    }) : () -> ()
    %run_scoped3A_32 = arith.constant 0 : i32
    %run_scoped3A_33 = arith.constant 7 : i32
    "tpu.region"() ({
      %run_scoped3A_46 = tpu.sem_alloc : memref<!tpu.dma_semaphore, #tpu.memory_space<semaphore_mem>>
      %dma_start3A = arith.constant 0 : i32
      %dma_start3A_47 = tpu.memref_slice %arg3[%run_scoped3A_32, %run_scoped3A_33, %mul3A_2, %dma_start3A] : memref<1x11x256x512xf32, #tpu.memory_space<hbm>> -> memref<1x1x8x512xf32, #tpu.memory_space<hbm>>
      %dma_start3A_48 = tpu.memref_squeeze %dma_start3A_47 : memref<1x1x8x512xf32, #tpu.memory_space<hbm>> -> memref<8x512xf32, #tpu.memory_space<hbm>>
      %dma_start3A_49 = arith.constant 0 : i32
      %dma_start3A_50 = tpu.memref_slice %arg3[%run_scoped3A_32, %run_scoped3A_33, %mul3A_2, %dma_start3A_49] : memref<1x11x256x512xf32, #tpu.memory_space<hbm>> -> memref<1x1x8x512xf32, #tpu.memory_space<hbm>>
      %dma_start3A_51 = tpu.memref_squeeze %dma_start3A_50 : memref<1x1x8x512xf32, #tpu.memory_space<hbm>> -> memref<8x512xf32, #tpu.memory_space<hbm>>
      tpu.enqueue_dma source(%arg4 : memref<8x512xf32, #tpu.memory_space<vmem>>) target(%dma_start3A_51 : memref<8x512xf32, #tpu.memory_space<hbm>>) target_semaphore(%run_scoped3A_46 : memref<!tpu.dma_semaphore, #tpu.memory_space<semaphore_mem>>)
      %dma_wait3A = arith.constant 0 : i32
      %dma_wait3A_52 = tpu.memref_slice %arg3[%run_scoped3A_32, %run_scoped3A_33, %mul3A_2, %dma_wait3A] : memref<1x11x256x512xf32, #tpu.memory_space<hbm>> -> memref<1x1x8x512xf32, #tpu.memory_space<hbm>>
      %dma_wait3A_53 = tpu.memref_squeeze %dma_wait3A_52 : memref<1x1x8x512xf32, #tpu.memory_space<hbm>> -> memref<8x512xf32, #tpu.memory_space<hbm>>
      %dma_wait3A_54 = arith.constant 0 : i32
      %dma_wait3A_55 = tpu.memref_slice %arg3[%run_scoped3A_32, %run_scoped3A_33, %mul3A_2, %dma_wait3A_54] : memref<1x11x256x512xf32, #tpu.memory_space<hbm>> -> memref<1x1x8x512xf32, #tpu.memory_space<hbm>>
      %dma_wait3A_56 = tpu.memref_squeeze %dma_wait3A_55 : memref<1x1x8x512xf32, #tpu.memory_space<hbm>> -> memref<8x512xf32, #tpu.memory_space<hbm>>
      tpu.wait_dma2 semaphore(%run_scoped3A_46 : memref<!tpu.dma_semaphore, #tpu.memory_space<semaphore_mem>>) src(%arg4 : memref<8x512xf32, #tpu.memory_space<vmem>>) dst(%dma_wait3A_56 : memref<8x512xf32, #tpu.memory_space<hbm>>)
      tpu.yield
    }) : () -> ()
    %run_scoped3A_34 = arith.constant 0 : i32
    %run_scoped3A_35 = arith.constant 8 : i32
    "tpu.region"() ({
      %run_scoped3A_46 = tpu.sem_alloc : memref<!tpu.dma_semaphore, #tpu.memory_space<semaphore_mem>>
      %dma_start3A = arith.constant 0 : i32
      %dma_start3A_47 = tpu.memref_slice %arg2[%run_scoped3A_34, %run_scoped3A_35, %mul3A_2, %dma_start3A] : memref<1x19x256x512xf32, #tpu.memory_space<hbm>> -> memref<1x1x8x512xf32, #tpu.memory_space<hbm>>
      %dma_start3A_48 = tpu.memref_squeeze %dma_start3A_47 : memref<1x1x8x512xf32, #tpu.memory_space<hbm>> -> memref<8x512xf32, #tpu.memory_space<hbm>>
      %dma_start3A_49 = arith.constant 0 : i32
      %dma_start3A_50 = tpu.memref_slice %arg2[%run_scoped3A_34, %run_scoped3A_35, %mul3A_2, %dma_start3A_49] : memref<1x19x256x512xf32, #tpu.memory_space<hbm>> -> memref<1x1x8x512xf32, #tpu.memory_space<hbm>>
      %dma_start3A_51 = tpu.memref_squeeze %dma_start3A_50 : memref<1x1x8x512xf32, #tpu.memory_space<hbm>> -> memref<8x512xf32, #tpu.memory_space<hbm>>
      tpu.enqueue_dma source(%dma_start3A_51 : memref<8x512xf32, #tpu.memory_space<hbm>>) target(%arg4 : memref<8x512xf32, #tpu.memory_space<vmem>>) target_semaphore(%run_scoped3A_46 : memref<!tpu.dma_semaphore, #tpu.memory_space<semaphore_mem>>)
      %dma_wait3A = arith.constant 0 : i32
      %dma_wait3A_52 = tpu.memref_slice %arg2[%run_scoped3A_34, %run_scoped3A_35, %mul3A_2, %dma_wait3A] : memref<1x19x256x512xf32, #tpu.memory_space<hbm>> -> memref<1x1x8x512xf32, #tpu.memory_space<hbm>>
      %dma_wait3A_53 = tpu.memref_squeeze %dma_wait3A_52 : memref<1x1x8x512xf32, #tpu.memory_space<hbm>> -> memref<8x512xf32, #tpu.memory_space<hbm>>
      %dma_wait3A_54 = arith.constant 0 : i32
      %dma_wait3A_55 = tpu.memref_slice %arg2[%run_scoped3A_34, %run_scoped3A_35, %mul3A_2, %dma_wait3A_54] : memref<1x19x256x512xf32, #tpu.memory_space<hbm>> -> memref<1x1x8x512xf32, #tpu.memory_space<hbm>>
      %dma_wait3A_56 = tpu.memref_squeeze %dma_wait3A_55 : memref<1x1x8x512xf32, #tpu.memory_space<hbm>> -> memref<8x512xf32, #tpu.memory_space<hbm>>
      tpu.wait_dma2 semaphore(%run_scoped3A_46 : memref<!tpu.dma_semaphore, #tpu.memory_space<semaphore_mem>>) src(%dma_wait3A_56 : memref<8x512xf32, #tpu.memory_space<hbm>>) dst(%arg4 : memref<8x512xf32, #tpu.memory_space<vmem>>)
      tpu.yield
    }) : () -> ()
    %run_scoped3A_36 = arith.constant 0 : i32
    %run_scoped3A_37 = arith.constant 8 : i32
    "tpu.region"() ({
      %run_scoped3A_46 = tpu.sem_alloc : memref<!tpu.dma_semaphore, #tpu.memory_space<semaphore_mem>>
      %dma_start3A = arith.constant 0 : i32
      %dma_start3A_47 = tpu.memref_slice %arg3[%run_scoped3A_36, %run_scoped3A_37, %mul3A_2, %dma_start3A] : memref<1x11x256x512xf32, #tpu.memory_space<hbm>> -> memref<1x1x8x512xf32, #tpu.memory_space<hbm>>
      %dma_start3A_48 = tpu.memref_squeeze %dma_start3A_47 : memref<1x1x8x512xf32, #tpu.memory_space<hbm>> -> memref<8x512xf32, #tpu.memory_space<hbm>>
      %dma_start3A_49 = arith.constant 0 : i32
      %dma_start3A_50 = tpu.memref_slice %arg3[%run_scoped3A_36, %run_scoped3A_37, %mul3A_2, %dma_start3A_49] : memref<1x11x256x512xf32, #tpu.memory_space<hbm>> -> memref<1x1x8x512xf32, #tpu.memory_space<hbm>>
      %dma_start3A_51 = tpu.memref_squeeze %dma_start3A_50 : memref<1x1x8x512xf32, #tpu.memory_space<hbm>> -> memref<8x512xf32, #tpu.memory_space<hbm>>
      tpu.enqueue_dma source(%arg4 : memref<8x512xf32, #tpu.memory_space<vmem>>) target(%dma_start3A_51 : memref<8x512xf32, #tpu.memory_space<hbm>>) target_semaphore(%run_scoped3A_46 : memref<!tpu.dma_semaphore, #tpu.memory_space<semaphore_mem>>)
      %dma_wait3A = arith.constant 0 : i32
      %dma_wait3A_52 = tpu.memref_slice %arg3[%run_scoped3A_36, %run_scoped3A_37, %mul3A_2, %dma_wait3A] : memref<1x11x256x512xf32, #tpu.memory_space<hbm>> -> memref<1x1x8x512xf32, #tpu.memory_space<hbm>>
      %dma_wait3A_53 = tpu.memref_squeeze %dma_wait3A_52 : memref<1x1x8x512xf32, #tpu.memory_space<hbm>> -> memref<8x512xf32, #tpu.memory_space<hbm>>
      %dma_wait3A_54 = arith.constant 0 : i32
      %dma_wait3A_55 = tpu.memref_slice %arg3[%run_scoped3A_36, %run_scoped3A_37, %mul3A_2, %dma_wait3A_54] : memref<1x11x256x512xf32, #tpu.memory_space<hbm>> -> memref<1x1x8x512xf32, #tpu.memory_space<hbm>>
      %dma_wait3A_56 = tpu.memref_squeeze %dma_wait3A_55 : memref<1x1x8x512xf32, #tpu.memory_space<hbm>> -> memref<8x512xf32, #tpu.memory_space<hbm>>
      tpu.wait_dma2 semaphore(%run_scoped3A_46 : memref<!tpu.dma_semaphore, #tpu.memory_space<semaphore_mem>>) src(%arg4 : memref<8x512xf32, #tpu.memory_space<vmem>>) dst(%dma_wait3A_56 : memref<8x512xf32, #tpu.memory_space<hbm>>)
      tpu.yield
    }) : () -> ()
    %run_scoped3A_38 = arith.constant 0 : i32
    %run_scoped3A_39 = arith.constant 9 : i32
    "tpu.region"() ({
      %run_scoped3A_46 = tpu.sem_alloc : memref<!tpu.dma_semaphore, #tpu.memory_space<semaphore_mem>>
      %dma_start3A = arith.constant 0 : i32
      %dma_start3A_47 = tpu.memref_slice %arg2[%run_scoped3A_38, %run_scoped3A_39, %mul3A_2, %dma_start3A] : memref<1x19x256x512xf32, #tpu.memory_space<hbm>> -> memref<1x1x8x512xf32, #tpu.memory_space<hbm>>
      %dma_start3A_48 = tpu.memref_squeeze %dma_start3A_47 : memref<1x1x8x512xf32, #tpu.memory_space<hbm>> -> memref<8x512xf32, #tpu.memory_space<hbm>>
      %dma_start3A_49 = arith.constant 0 : i32
      %dma_start3A_50 = tpu.memref_slice %arg2[%run_scoped3A_38, %run_scoped3A_39, %mul3A_2, %dma_start3A_49] : memref<1x19x256x512xf32, #tpu.memory_space<hbm>> -> memref<1x1x8x512xf32, #tpu.memory_space<hbm>>
      %dma_start3A_51 = tpu.memref_squeeze %dma_start3A_50 : memref<1x1x8x512xf32, #tpu.memory_space<hbm>> -> memref<8x512xf32, #tpu.memory_space<hbm>>
      tpu.enqueue_dma source(%dma_start3A_51 : memref<8x512xf32, #tpu.memory_space<hbm>>) target(%arg4 : memref<8x512xf32, #tpu.memory_space<vmem>>) target_semaphore(%run_scoped3A_46 : memref<!tpu.dma_semaphore, #tpu.memory_space<semaphore_mem>>)
      %dma_wait3A = arith.constant 0 : i32
      %dma_wait3A_52 = tpu.memref_slice %arg2[%run_scoped3A_38, %run_scoped3A_39, %mul3A_2, %dma_wait3A] : memref<1x19x256x512xf32, #tpu.memory_space<hbm>> -> memref<1x1x8x512xf32, #tpu.memory_space<hbm>>
      %dma_wait3A_53 = tpu.memref_squeeze %dma_wait3A_52 : memref<1x1x8x512xf32, #tpu.memory_space<hbm>> -> memref<8x512xf32, #tpu.memory_space<hbm>>
      %dma_wait3A_54 = arith.constant 0 : i32
      %dma_wait3A_55 = tpu.memref_slice %arg2[%run_scoped3A_38, %run_scoped3A_39, %mul3A_2, %dma_wait3A_54] : memref<1x19x256x512xf32, #tpu.memory_space<hbm>> -> memref<1x1x8x512xf32, #tpu.memory_space<hbm>>
      %dma_wait3A_56 = tpu.memref_squeeze %dma_wait3A_55 : memref<1x1x8x512xf32, #tpu.memory_space<hbm>> -> memref<8x512xf32, #tpu.memory_space<hbm>>
      tpu.wait_dma2 semaphore(%run_scoped3A_46 : memref<!tpu.dma_semaphore, #tpu.memory_space<semaphore_mem>>) src(%dma_wait3A_56 : memref<8x512xf32, #tpu.memory_space<hbm>>) dst(%arg4 : memref<8x512xf32, #tpu.memory_space<vmem>>)
      tpu.yield
    }) : () -> ()
    %run_scoped3A_40 = arith.constant 0 : i32
    %run_scoped3A_41 = arith.constant 9 : i32
    "tpu.region"() ({
      %run_scoped3A_46 = tpu.sem_alloc : memref<!tpu.dma_semaphore, #tpu.memory_space<semaphore_mem>>
      %dma_start3A = arith.constant 0 : i32
      %dma_start3A_47 = tpu.memref_slice %arg3[%run_scoped3A_40, %run_scoped3A_41, %mul3A_2, %dma_start3A] : memref<1x11x256x512xf32, #tpu.memory_space<hbm>> -> memref<1x1x8x512xf32, #tpu.memory_space<hbm>>
      %dma_start3A_48 = tpu.memref_squeeze %dma_start3A_47 : memref<1x1x8x512xf32, #tpu.memory_space<hbm>> -> memref<8x512xf32, #tpu.memory_space<hbm>>
      %dma_start3A_49 = arith.constant 0 : i32
      %dma_start3A_50 = tpu.memref_slice %arg3[%run_scoped3A_40, %run_scoped3A_41, %mul3A_2, %dma_start3A_49] : memref<1x11x256x512xf32, #tpu.memory_space<hbm>> -> memref<1x1x8x512xf32, #tpu.memory_space<hbm>>
      %dma_start3A_51 = tpu.memref_squeeze %dma_start3A_50 : memref<1x1x8x512xf32, #tpu.memory_space<hbm>> -> memref<8x512xf32, #tpu.memory_space<hbm>>
      tpu.enqueue_dma source(%arg4 : memref<8x512xf32, #tpu.memory_space<vmem>>) target(%dma_start3A_51 : memref<8x512xf32, #tpu.memory_space<hbm>>) target_semaphore(%run_scoped3A_46 : memref<!tpu.dma_semaphore, #tpu.memory_space<semaphore_mem>>)
      %dma_wait3A = arith.constant 0 : i32
      %dma_wait3A_52 = tpu.memref_slice %arg3[%run_scoped3A_40, %run_scoped3A_41, %mul3A_2, %dma_wait3A] : memref<1x11x256x512xf32, #tpu.memory_space<hbm>> -> memref<1x1x8x512xf32, #tpu.memory_space<hbm>>
      %dma_wait3A_53 = tpu.memref_squeeze %dma_wait3A_52 : memref<1x1x8x512xf32, #tpu.memory_space<hbm>> -> memref<8x512xf32, #tpu.memory_space<hbm>>
      %dma_wait3A_54 = arith.constant 0 : i32
      %dma_wait3A_55 = tpu.memref_slice %arg3[%run_scoped3A_40, %run_scoped3A_41, %mul3A_2, %dma_wait3A_54] : memref<1x11x256x512xf32, #tpu.memory_space<hbm>> -> memref<1x1x8x512xf32, #tpu.memory_space<hbm>>
      %dma_wait3A_56 = tpu.memref_squeeze %dma_wait3A_55 : memref<1x1x8x512xf32, #tpu.memory_space<hbm>> -> memref<8x512xf32, #tpu.memory_space<hbm>>
      tpu.wait_dma2 semaphore(%run_scoped3A_46 : memref<!tpu.dma_semaphore, #tpu.memory_space<semaphore_mem>>) src(%arg4 : memref<8x512xf32, #tpu.memory_space<vmem>>) dst(%dma_wait3A_56 : memref<8x512xf32, #tpu.memory_space<hbm>>)
      tpu.yield
    }) : () -> ()
    %run_scoped3A_42 = arith.constant 0 : i32
    %run_scoped3A_43 = arith.constant 10 : i32
    "tpu.region"() ({
      %run_scoped3A_46 = tpu.sem_alloc : memref<!tpu.dma_semaphore, #tpu.memory_space<semaphore_mem>>
      %dma_start3A = arith.constant 0 : i32
      %dma_start3A_47 = tpu.memref_slice %arg2[%run_scoped3A_42, %run_scoped3A_43, %mul3A_2, %dma_start3A] : memref<1x19x256x512xf32, #tpu.memory_space<hbm>> -> memref<1x1x8x512xf32, #tpu.memory_space<hbm>>
      %dma_start3A_48 = tpu.memref_squeeze %dma_start3A_47 : memref<1x1x8x512xf32, #tpu.memory_space<hbm>> -> memref<8x512xf32, #tpu.memory_space<hbm>>
      %dma_start3A_49 = arith.constant 0 : i32
      %dma_start3A_50 = tpu.memref_slice %arg2[%run_scoped3A_42, %run_scoped3A_43, %mul3A_2, %dma_start3A_49] : memref<1x19x256x512xf32, #tpu.memory_space<hbm>> -> memref<1x1x8x512xf32, #tpu.memory_space<hbm>>
      %dma_start3A_51 = tpu.memref_squeeze %dma_start3A_50 : memref<1x1x8x512xf32, #tpu.memory_space<hbm>> -> memref<8x512xf32, #tpu.memory_space<hbm>>
      tpu.enqueue_dma source(%dma_start3A_51 : memref<8x512xf32, #tpu.memory_space<hbm>>) target(%arg4 : memref<8x512xf32, #tpu.memory_space<vmem>>) target_semaphore(%run_scoped3A_46 : memref<!tpu.dma_semaphore, #tpu.memory_space<semaphore_mem>>)
      %dma_wait3A = arith.constant 0 : i32
      %dma_wait3A_52 = tpu.memref_slice %arg2[%run_scoped3A_42, %run_scoped3A_43, %mul3A_2, %dma_wait3A] : memref<1x19x256x512xf32, #tpu.memory_space<hbm>> -> memref<1x1x8x512xf32, #tpu.memory_space<hbm>>
      %dma_wait3A_53 = tpu.memref_squeeze %dma_wait3A_52 : memref<1x1x8x512xf32, #tpu.memory_space<hbm>> -> memref<8x512xf32, #tpu.memory_space<hbm>>
      %dma_wait3A_54 = arith.constant 0 : i32
      %dma_wait3A_55 = tpu.memref_slice %arg2[%run_scoped3A_42, %run_scoped3A_43, %mul3A_2, %dma_wait3A_54] : memref<1x19x256x512xf32, #tpu.memory_space<hbm>> -> memref<1x1x8x512xf32, #tpu.memory_space<hbm>>
      %dma_wait3A_56 = tpu.memref_squeeze %dma_wait3A_55 : memref<1x1x8x512xf32, #tpu.memory_space<hbm>> -> memref<8x512xf32, #tpu.memory_space<hbm>>
      tpu.wait_dma2 semaphore(%run_scoped3A_46 : memref<!tpu.dma_semaphore, #tpu.memory_space<semaphore_mem>>) src(%dma_wait3A_56 : memref<8x512xf32, #tpu.memory_space<hbm>>) dst(%arg4 : memref<8x512xf32, #tpu.memory_space<vmem>>)
      tpu.yield
    }) : () -> ()
    %run_scoped3A_44 = arith.constant 0 : i32
    %run_scoped3A_45 = arith.constant 10 : i32
    "tpu.region"() ({
      %run_scoped3A_46 = tpu.sem_alloc : memref<!tpu.dma_semaphore, #tpu.memory_space<semaphore_mem>>
      %dma_start3A = arith.constant 0 : i32
      %dma_start3A_47 = tpu.memref_slice %arg3[%run_scoped3A_44, %run_scoped3A_45, %mul3A_2, %dma_start3A] : memref<1x11x256x512xf32, #tpu.memory_space<hbm>> -> memref<1x1x8x512xf32, #tpu.memory_space<hbm>>
      %dma_start3A_48 = tpu.memref_squeeze %dma_start3A_47 : memref<1x1x8x512xf32, #tpu.memory_space<hbm>> -> memref<8x512xf32, #tpu.memory_space<hbm>>
      %dma_start3A_49 = arith.constant 0 : i32
      %dma_start3A_50 = tpu.memref_slice %arg3[%run_scoped3A_44, %run_scoped3A_45, %mul3A_2, %dma_start3A_49] : memref<1x11x256x512xf32, #tpu.memory_space<hbm>> -> memref<1x1x8x512xf32, #tpu.memory_space<hbm>>
      %dma_start3A_51 = tpu.memref_squeeze %dma_start3A_50 : memref<1x1x8x512xf32, #tpu.memory_space<hbm>> -> memref<8x512xf32, #tpu.memory_space<hbm>>
      tpu.enqueue_dma source(%arg4 : memref<8x512xf32, #tpu.memory_space<vmem>>) target(%dma_start3A_51 : memref<8x512xf32, #tpu.memory_space<hbm>>) target_semaphore(%run_scoped3A_46 : memref<!tpu.dma_semaphore, #tpu.memory_space<semaphore_mem>>)
      %dma_wait3A = arith.constant 0 : i32
      %dma_wait3A_52 = tpu.memref_slice %arg3[%run_scoped3A_44, %run_scoped3A_45, %mul3A_2, %dma_wait3A] : memref<1x11x256x512xf32, #tpu.memory_space<hbm>> -> memref<1x1x8x512xf32, #tpu.memory_space<hbm>>
      %dma_wait3A_53 = tpu.memref_squeeze %dma_wait3A_52 : memref<1x1x8x512xf32, #tpu.memory_space<hbm>> -> memref<8x512xf32, #tpu.memory_space<hbm>>
      %dma_wait3A_54 = arith.constant 0 : i32
      %dma_wait3A_55 = tpu.memref_slice %arg3[%run_scoped3A_44, %run_scoped3A_45, %mul3A_2, %dma_wait3A_54] : memref<1x11x256x512xf32, #tpu.memory_space<hbm>> -> memref<1x1x8x512xf32, #tpu.memory_space<hbm>>
      %dma_wait3A_56 = tpu.memref_squeeze %dma_wait3A_55 : memref<1x1x8x512xf32, #tpu.memory_space<hbm>> -> memref<8x512xf32, #tpu.memory_space<hbm>>
      tpu.wait_dma2 semaphore(%run_scoped3A_46 : memref<!tpu.dma_semaphore, #tpu.memory_space<semaphore_mem>>) src(%arg4 : memref<8x512xf32, #tpu.memory_space<vmem>>) dst(%dma_wait3A_56 : memref<8x512xf32, #tpu.memory_space<hbm>>)
      tpu.yield
    }) : () -> ()
    return
  }
}

module attributes {stable_mosaic.version = 14 : i64} {
  func.func @_inst_kernel(%arg0: i32, %arg1: memref<200xi32, #tpu.memory_space<smem>>, %arg2: memref<200x5xf32, #tpu.memory_space<smem>>, %arg3: memref<1x19x256x512xf32, #tpu.memory_space<vmem>>, %arg4: memref<1x20x256x512xf32, #tpu.memory_space<vmem>>) attributes {dimension_semantics = [#tpu.dimension_semantics<arbitrary>], iteration_bounds = array<i64: 10>, scalar_prefetch = 0 : i64, scratch_operands = 0 : i64, tpu.core_type = #tpu.core_type<tc>, window_params = [{transform_indices = @transform_0, window_bounds = array<i64: 200>}, {transform_indices = @transform_1, window_bounds = array<i64: 200, 5>}, {pipeline_mode = #tpu.pipeline_mode<synchronous>, transform_indices = @transform_2, window_bounds = array<i64: 1, 19, 256, 512>}, {transform_indices = @transform_3, window_bounds = array<i64: 1, 20, 256, 512>}]} {
    %iota3A = tpu.iota {dimensions = array<i32: 0>} : vector<256x1xi32>
    %iota3A_0 = tpu.iota {dimensions = array<i32: 1>} : vector<1x384xi32>
    %broadcast_in_dim3A = arith.constant 0.000000e+00 : f32
    %broadcast_in_dim3A_1 = vector.broadcast %broadcast_in_dim3A : f32 to vector<256x128xf32>
    %mul3A = arith.constant 20 : i32
    %mul3A_2 = arith.muli %arg0, %mul3A : i32
    %add3A = arith.constant 0 : i32
    %add3A_3 = arith.addi %mul3A_2, %add3A : i32
    %get3A = arith.index_cast %add3A_3 : i32 to index
    %get3A_4 = memref.load %arg1[%get3A] : memref<200xi32, #tpu.memory_space<smem>>
    %add3A_5 = arith.constant 10 : i32
    %add3A_6 = arith.addi %get3A_4, %add3A_5 : i32
    %jit3A = arith.constant 0 : i32
    %jit3A_7 = arith.constant 18 : i32
    %max3A = arith.maxsi %jit3A, %add3A_6 : i32
    %min3A = arith.minsi %jit3A_7, %max3A : i32
    %get3A_8 = arith.index_cast %add3A_3 : i32 to index
    %get3A_9 = arith.constant 1 : index
    %get3A_10 = memref.load %arg2[%get3A_8, %get3A_9] : memref<200x5xf32, #tpu.memory_space<smem>>
    %mul3A_11 = arith.constant 2.500000e-01 : f32
    %mul3A_12 = arith.mulf %get3A_10, %mul3A_11 : f32
    %floor3A = math.floor %mul3A_12 : f32
    %convert_element_type3A = arith.fptosi %floor3A : f32 to i32
    %get3A_13 = arith.index_cast %add3A_3 : i32 to index
    %get3A_14 = arith.constant 2 : index
    %get3A_15 = memref.load %arg2[%get3A_13, %get3A_14] : memref<200x5xf32, #tpu.memory_space<smem>>
    %mul3A_16 = arith.constant 2.500000e-01 : f32
    %mul3A_17 = arith.mulf %get3A_15, %mul3A_16 : f32
    %floor3A_18 = math.floor %mul3A_17 : f32
    %convert_element_type3A_19 = arith.fptosi %floor3A_18 : f32 to i32
    %get3A_20 = arith.index_cast %add3A_3 : i32 to index
    %get3A_21 = arith.constant 3 : index
    %get3A_22 = memref.load %arg2[%get3A_20, %get3A_21] : memref<200x5xf32, #tpu.memory_space<smem>>
    %mul3A_23 = arith.constant 2.500000e-01 : f32
    %mul3A_24 = arith.mulf %get3A_22, %mul3A_23 : f32
    %round3A = math.roundeven %mul3A_24 : f32
    %add3A_25 = arith.constant 1.000000e+00 : f32
    %add3A_26 = arith.addf %round3A, %add3A_25 : f32
    %convert_element_type3A_27 = arith.fptosi %add3A_26 : f32 to i32
    %get3A_28 = arith.index_cast %add3A_3 : i32 to index
    %get3A_29 = arith.constant 4 : index
    %get3A_30 = memref.load %arg2[%get3A_28, %get3A_29] : memref<200x5xf32, #tpu.memory_space<smem>>
    %mul3A_31 = arith.constant 2.500000e-01 : f32
    %mul3A_32 = arith.mulf %get3A_30, %mul3A_31 : f32
    %round3A_33 = math.roundeven %mul3A_32 : f32
    %add3A_34 = arith.constant 1.000000e+00 : f32
    %add3A_35 = arith.addf %round3A_33, %add3A_34 : f32
    %convert_element_type3A_36 = arith.fptosi %add3A_35 : f32 to i32
    %ge3A = vector.broadcast %convert_element_type3A_19 : i32 to vector<256x1xi32>
    %ge3A_37 = arith.cmpi sge, %iota3A, %ge3A : vector<256x1xi32>
    %lt3A = vector.broadcast %convert_element_type3A_36 : i32 to vector<256x1xi32>
    %lt3A_38 = arith.cmpi slt, %iota3A, %lt3A : vector<256x1xi32>
    %and3A = arith.andi %ge3A_37, %lt3A_38 : vector<256x1xi1>
    %ne3A = arith.constant 0 : i32
    %ne3A_39 = arith.cmpi ne, %get3A_4, %ne3A : i32
    %and3A_40 = vector.broadcast %ne3A_39 : i1 to vector<256x1xi1>
    %and3A_41 = arith.andi %and3A, %and3A_40 : vector<256x1xi1>
    %ge3A_42 = vector.broadcast %convert_element_type3A : i32 to vector<1x384xi32>
    %ge3A_43 = arith.cmpi sge, %iota3A_0, %ge3A_42 : vector<1x384xi32>
    %lt3A_44 = vector.broadcast %convert_element_type3A_27 : i32 to vector<1x384xi32>
    %lt3A_45 = arith.cmpi slt, %iota3A_0, %lt3A_44 : vector<1x384xi32>
    %and3A_46 = arith.andi %ge3A_43, %lt3A_45 : vector<1x384xi1>
    %and3A_47 = vector.broadcast %and3A_41 : vector<256x1xi1> to vector<256x384xi1>
    %and3A_48 = vector.broadcast %and3A_46 : vector<1x384xi1> to vector<256x384xi1>
    %and3A_49 = arith.andi %and3A_47, %and3A_48 : vector<256x384xi1>
    %get3A_50 = arith.constant 0 : index
    %get3A_51 = arith.index_cast %min3A : i32 to index
    %get3A_52 = arith.constant 0 : index
    %get3A_53 = arith.constant 0 : index
    %get3A_54 = vector.load %arg3[%get3A_50, %get3A_51, %get3A_52, %get3A_53] : memref<1x19x256x512xf32, #tpu.memory_space<vmem>>, vector<1x1x256x384xf32>
    %get3A_55 = vector.shape_cast %get3A_54 : vector<1x1x256x384xf32> to vector<256x384xf32>
    %jit3A_56 = arith.constant 0.000000e+00 : f32
    %broadcast_in_dim3A_57 = vector.broadcast %jit3A_56 : f32 to vector<256x384xf32>
    %select_n3A = arith.select %and3A_49, %get3A_55, %broadcast_in_dim3A_57 : vector<256x384xi1>, vector<256x384xf32>
    %swap3A = arith.constant 0 : index
    %swap3A_58 = arith.constant 0 : index
    %swap3A_59 = arith.constant 0 : index
    %swap3A_60 = arith.constant 0 : index
    %swap3A_61 = vector.load %arg4[%swap3A, %swap3A_58, %swap3A_59, %swap3A_60] : memref<1x20x256x512xf32, #tpu.memory_space<vmem>>, vector<1x1x256x384xf32>
    %swap3A_62 = vector.shape_cast %swap3A_61 : vector<1x1x256x384xf32> to vector<256x384xf32>
    %swap3A_63 = vector.shape_cast %select_n3A : vector<256x384xf32> to vector<1x1x256x384xf32>
    tpu.vector_store %arg4[%swap3A, %swap3A_58, %swap3A_59, %swap3A_60], %swap3A_63 {strides = array<i32>} : memref<1x20x256x512xf32, #tpu.memory_space<vmem>>, vector<1x1x256x384xf32>,
    %swap3A_64 = arith.constant 0 : index
    %swap3A_65 = arith.constant 0 : index
    %swap3A_66 = arith.constant 0 : index
    %swap3A_67 = arith.constant 384 : index
    %swap3A_68 = vector.load %arg4[%swap3A_64, %swap3A_65, %swap3A_66, %swap3A_67] : memref<1x20x256x512xf32, #tpu.memory_space<vmem>>, vector<1x1x256x128xf32>
    %swap3A_69 = vector.shape_cast %swap3A_68 : vector<1x1x256x128xf32> to vector<256x128xf32>
    %swap3A_70 = vector.shape_cast %broadcast_in_dim3A_1 : vector<256x128xf32> to vector<1x1x256x128xf32>
    tpu.vector_store %arg4[%swap3A_64, %swap3A_65, %swap3A_66, %swap3A_67], %swap3A_70 {strides = array<i32>} : memref<1x20x256x512xf32, #tpu.memory_space<vmem>>, vector<1x1x256x128xf32>,
    %mul3A_71 = arith.constant 20 : i32
    %mul3A_72 = arith.muli %arg0, %mul3A_71 : i32
    %add3A_73 = arith.constant 1 : i32
    %add3A_74 = arith.addi %mul3A_72, %add3A_73 : i32
    %get3A_75 = arith.index_cast %add3A_74 : i32 to index
    %get3A_76 = memref.load %arg1[%get3A_75] : memref<200xi32, #tpu.memory_space<smem>>
    %add3A_77 = arith.constant 10 : i32
    %add3A_78 = arith.addi %get3A_76, %add3A_77 : i32
    %jit3A_79 = arith.constant 0 : i32
    %jit3A_80 = arith.constant 18 : i32
    %max3A_81 = arith.maxsi %jit3A_79, %add3A_78 : i32
    %min3A_82 = arith.minsi %jit3A_80, %max3A_81 : i32
    %get3A_83 = arith.index_cast %add3A_74 : i32 to index
    %get3A_84 = arith.constant 1 : index
    %get3A_85 = memref.load %arg2[%get3A_83, %get3A_84] : memref<200x5xf32, #tpu.memory_space<smem>>
    %mul3A_86 = arith.constant 2.500000e-01 : f32
    %mul3A_87 = arith.mulf %get3A_85, %mul3A_86 : f32
    %floor3A_88 = math.floor %mul3A_87 : f32
    %convert_element_type3A_89 = arith.fptosi %floor3A_88 : f32 to i32
    %get3A_90 = arith.index_cast %add3A_74 : i32 to index
    %get3A_91 = arith.constant 2 : index
    %get3A_92 = memref.load %arg2[%get3A_90, %get3A_91] : memref<200x5xf32, #tpu.memory_space<smem>>
    %mul3A_93 = arith.constant 2.500000e-01 : f32
    %mul3A_94 = arith.mulf %get3A_92, %mul3A_93 : f32
    %floor3A_95 = math.floor %mul3A_94 : f32
    %convert_element_type3A_96 = arith.fptosi %floor3A_95 : f32 to i32
    %get3A_97 = arith.index_cast %add3A_74 : i32 to index
    %get3A_98 = arith.constant 3 : index
    %get3A_99 = memref.load %arg2[%get3A_97, %get3A_98] : memref<200x5xf32, #tpu.memory_space<smem>>
    %mul3A_100 = arith.constant 2.500000e-01 : f32
    %mul3A_101 = arith.mulf %get3A_99, %mul3A_100 : f32
    %round3A_102 = math.roundeven %mul3A_101 : f32
    %add3A_103 = arith.constant 1.000000e+00 : f32
    %add3A_104 = arith.addf %round3A_102, %add3A_103 : f32
    %convert_element_type3A_105 = arith.fptosi %add3A_104 : f32 to i32
    %get3A_106 = arith.index_cast %add3A_74 : i32 to index
    %get3A_107 = arith.constant 4 : index
    %get3A_108 = memref.load %arg2[%get3A_106, %get3A_107] : memref<200x5xf32, #tpu.memory_space<smem>>
    %mul3A_109 = arith.constant 2.500000e-01 : f32
    %mul3A_110 = arith.mulf %get3A_108, %mul3A_109 : f32
    %round3A_111 = math.roundeven %mul3A_110 : f32
    %add3A_112 = arith.constant 1.000000e+00 : f32
    %add3A_113 = arith.addf %round3A_111, %add3A_112 : f32
    %convert_element_type3A_114 = arith.fptosi %add3A_113 : f32 to i32
    %ge3A_115 = vector.broadcast %convert_element_type3A_96 : i32 to vector<256x1xi32>
    %ge3A_116 = arith.cmpi sge, %iota3A, %ge3A_115 : vector<256x1xi32>
    %lt3A_117 = vector.broadcast %convert_element_type3A_114 : i32 to vector<256x1xi32>
    %lt3A_118 = arith.cmpi slt, %iota3A, %lt3A_117 : vector<256x1xi32>
    %and3A_119 = arith.andi %ge3A_116, %lt3A_118 : vector<256x1xi1>
    %ne3A_120 = arith.constant 0 : i32
    %ne3A_121 = arith.cmpi ne, %get3A_76, %ne3A_120 : i32
    %and3A_122 = vector.broadcast %ne3A_121 : i1 to vector<256x1xi1>
    %and3A_123 = arith.andi %and3A_119, %and3A_122 : vector<256x1xi1>
    %ge3A_124 = vector.broadcast %convert_element_type3A_89 : i32 to vector<1x384xi32>
    %ge3A_125 = arith.cmpi sge, %iota3A_0, %ge3A_124 : vector<1x384xi32>
    %lt3A_126 = vector.broadcast %convert_element_type3A_105 : i32 to vector<1x384xi32>
    %lt3A_127 = arith.cmpi slt, %iota3A_0, %lt3A_126 : vector<1x384xi32>
    %and3A_128 = arith.andi %ge3A_125, %lt3A_127 : vector<1x384xi1>
    %and3A_129 = vector.broadcast %and3A_123 : vector<256x1xi1> to vector<256x384xi1>
    %and3A_130 = vector.broadcast %and3A_128 : vector<1x384xi1> to vector<256x384xi1>
    %and3A_131 = arith.andi %and3A_129, %and3A_130 : vector<256x384xi1>
    %get3A_132 = arith.constant 0 : index
    %get3A_133 = arith.index_cast %min3A_82 : i32 to index
    %get3A_134 = arith.constant 0 : index
    %get3A_135 = arith.constant 0 : index
    %get3A_136 = vector.load %arg3[%get3A_132, %get3A_133, %get3A_134, %get3A_135] : memref<1x19x256x512xf32, #tpu.memory_space<vmem>>, vector<1x1x256x384xf32>
    %get3A_137 = vector.shape_cast %get3A_136 : vector<1x1x256x384xf32> to vector<256x384xf32>
    %jit3A_138 = arith.constant 0.000000e+00 : f32
    %broadcast_in_dim3A_139 = vector.broadcast %jit3A_138 : f32 to vector<256x384xf32>
    %select_n3A_140 = arith.select %and3A_131, %get3A_137, %broadcast_in_dim3A_139 : vector<256x384xi1>, vector<256x384xf32>
    %swap3A_141 = arith.constant 0 : index
    %swap3A_142 = arith.constant 1 : index
    %swap3A_143 = arith.constant 0 : index
    %swap3A_144 = arith.constant 0 : index
    %swap3A_145 = vector.load %arg4[%swap3A_141, %swap3A_142, %swap3A_143, %swap3A_144] : memref<1x20x256x512xf32, #tpu.memory_space<vmem>>, vector<1x1x256x384xf32>
    %swap3A_146 = vector.shape_cast %swap3A_145 : vector<1x1x256x384xf32> to vector<256x384xf32>
    %swap3A_147 = vector.shape_cast %select_n3A_140 : vector<256x384xf32> to vector<1x1x256x384xf32>
    tpu.vector_store %arg4[%swap3A_141, %swap3A_142, %swap3A_143, %swap3A_144], %swap3A_147 {strides = array<i32>} : memref<1x20x256x512xf32, #tpu.memory_space<vmem>>, vector<1x1x256x384xf32>,
    %swap3A_148 = arith.constant 0 : index
    %swap3A_149 = arith.constant 1 : index
    %swap3A_150 = arith.constant 0 : index
    %swap3A_151 = arith.constant 384 : index
    %swap3A_152 = vector.load %arg4[%swap3A_148, %swap3A_149, %swap3A_150, %swap3A_151] : memref<1x20x256x512xf32, #tpu.memory_space<vmem>>, vector<1x1x256x128xf32>
    %swap3A_153 = vector.shape_cast %swap3A_152 : vector<1x1x256x128xf32> to vector<256x128xf32>
    %swap3A_154 = vector.shape_cast %broadcast_in_dim3A_1 : vector<256x128xf32> to vector<1x1x256x128xf32>
    tpu.vector_store %arg4[%swap3A_148, %swap3A_149, %swap3A_150, %swap3A_151], %swap3A_154 {strides = array<i32>} : memref<1x20x256x512xf32, #tpu.memory_space<vmem>>, vector<1x1x256x128xf32>,
    %mul3A_155 = arith.constant 20 : i32
    %mul3A_156 = arith.muli %arg0, %mul3A_155 : i32
    %add3A_157 = arith.constant 2 : i32
    %add3A_158 = arith.addi %mul3A_156, %add3A_157 : i32
    %get3A_159 = arith.index_cast %add3A_158 : i32 to index
    %get3A_160 = memref.load %arg1[%get3A_159] : memref<200xi32, #tpu.memory_space<smem>>
    %add3A_161 = arith.constant 10 : i32
    %add3A_162 = arith.addi %get3A_160, %add3A_161 : i32
    %jit3A_163 = arith.constant 0 : i32
    %jit3A_164 = arith.constant 18 : i32
    %max3A_165 = arith.maxsi %jit3A_163, %add3A_162 : i32
    %min3A_166 = arith.minsi %jit3A_164, %max3A_165 : i32
    %get3A_167 = arith.index_cast %add3A_158 : i32 to index
    %get3A_168 = arith.constant 1 : index
    %get3A_169 = memref.load %arg2[%get3A_167, %get3A_168] : memref<200x5xf32, #tpu.memory_space<smem>>
    %mul3A_170 = arith.constant 2.500000e-01 : f32
    %mul3A_171 = arith.mulf %get3A_169, %mul3A_170 : f32
    %floor3A_172 = math.floor %mul3A_171 : f32
    %convert_element_type3A_173 = arith.fptosi %floor3A_172 : f32 to i32
    %get3A_174 = arith.index_cast %add3A_158 : i32 to index
    %get3A_175 = arith.constant 2 : index
    %get3A_176 = memref.load %arg2[%get3A_174, %get3A_175] : memref<200x5xf32, #tpu.memory_space<smem>>
    %mul3A_177 = arith.constant 2.500000e-01 : f32
    %mul3A_178 = arith.mulf %get3A_176, %mul3A_177 : f32
    %floor3A_179 = math.floor %mul3A_178 : f32
    %convert_element_type3A_180 = arith.fptosi %floor3A_179 : f32 to i32
    %get3A_181 = arith.index_cast %add3A_158 : i32 to index
    %get3A_182 = arith.constant 3 : index
    %get3A_183 = memref.load %arg2[%get3A_181, %get3A_182] : memref<200x5xf32, #tpu.memory_space<smem>>
    %mul3A_184 = arith.constant 2.500000e-01 : f32
    %mul3A_185 = arith.mulf %get3A_183, %mul3A_184 : f32
    %round3A_186 = math.roundeven %mul3A_185 : f32
    %add3A_187 = arith.constant 1.000000e+00 : f32
    %add3A_188 = arith.addf %round3A_186, %add3A_187 : f32
    %convert_element_type3A_189 = arith.fptosi %add3A_188 : f32 to i32
    %get3A_190 = arith.index_cast %add3A_158 : i32 to index
    %get3A_191 = arith.constant 4 : index
    %get3A_192 = memref.load %arg2[%get3A_190, %get3A_191] : memref<200x5xf32, #tpu.memory_space<smem>>
    %mul3A_193 = arith.constant 2.500000e-01 : f32
    %mul3A_194 = arith.mulf %get3A_192, %mul3A_193 : f32
    %round3A_195 = math.roundeven %mul3A_194 : f32
    %add3A_196 = arith.constant 1.000000e+00 : f32
    %add3A_197 = arith.addf %round3A_195, %add3A_196 : f32
    %convert_element_type3A_198 = arith.fptosi %add3A_197 : f32 to i32
    %ge3A_199 = vector.broadcast %convert_element_type3A_180 : i32 to vector<256x1xi32>
    %ge3A_200 = arith.cmpi sge, %iota3A, %ge3A_199 : vector<256x1xi32>
    %lt3A_201 = vector.broadcast %convert_element_type3A_198 : i32 to vector<256x1xi32>
    %lt3A_202 = arith.cmpi slt, %iota3A, %lt3A_201 : vector<256x1xi32>
    %and3A_203 = arith.andi %ge3A_200, %lt3A_202 : vector<256x1xi1>
    %ne3A_204 = arith.constant 0 : i32
    %ne3A_205 = arith.cmpi ne, %get3A_160, %ne3A_204 : i32
    %and3A_206 = vector.broadcast %ne3A_205 : i1 to vector<256x1xi1>
    %and3A_207 = arith.andi %and3A_203, %and3A_206 : vector<256x1xi1>
    %ge3A_208 = vector.broadcast %convert_element_type3A_173 : i32 to vector<1x384xi32>
    %ge3A_209 = arith.cmpi sge, %iota3A_0, %ge3A_208 : vector<1x384xi32>
    %lt3A_210 = vector.broadcast %convert_element_type3A_189 : i32 to vector<1x384xi32>
    %lt3A_211 = arith.cmpi slt, %iota3A_0, %lt3A_210 : vector<1x384xi32>
    %and3A_212 = arith.andi %ge3A_209, %lt3A_211 : vector<1x384xi1>
    %and3A_213 = vector.broadcast %and3A_207 : vector<256x1xi1> to vector<256x384xi1>
    %and3A_214 = vector.broadcast %and3A_212 : vector<1x384xi1> to vector<256x384xi1>
    %and3A_215 = arith.andi %and3A_213, %and3A_214 : vector<256x384xi1>
    %get3A_216 = arith.constant 0 : index
    %get3A_217 = arith.index_cast %min3A_166 : i32 to index
    %get3A_218 = arith.constant 0 : index
    %get3A_219 = arith.constant 0 : index
    %get3A_220 = vector.load %arg3[%get3A_216, %get3A_217, %get3A_218, %get3A_219] : memref<1x19x256x512xf32, #tpu.memory_space<vmem>>, vector<1x1x256x384xf32>
    %get3A_221 = vector.shape_cast %get3A_220 : vector<1x1x256x384xf32> to vector<256x384xf32>
    %jit3A_222 = arith.constant 0.000000e+00 : f32
    %broadcast_in_dim3A_223 = vector.broadcast %jit3A_222 : f32 to vector<256x384xf32>
    %select_n3A_224 = arith.select %and3A_215, %get3A_221, %broadcast_in_dim3A_223 : vector<256x384xi1>, vector<256x384xf32>
    %swap3A_225 = arith.constant 0 : index
    %swap3A_226 = arith.constant 2 : index
    %swap3A_227 = arith.constant 0 : index
    %swap3A_228 = arith.constant 0 : index
    %swap3A_229 = vector.load %arg4[%swap3A_225, %swap3A_226, %swap3A_227, %swap3A_228] : memref<1x20x256x512xf32, #tpu.memory_space<vmem>>, vector<1x1x256x384xf32>
    %swap3A_230 = vector.shape_cast %swap3A_229 : vector<1x1x256x384xf32> to vector<256x384xf32>
    %swap3A_231 = vector.shape_cast %select_n3A_224 : vector<256x384xf32> to vector<1x1x256x384xf32>
    tpu.vector_store %arg4[%swap3A_225, %swap3A_226, %swap3A_227, %swap3A_228], %swap3A_231 {strides = array<i32>} : memref<1x20x256x512xf32, #tpu.memory_space<vmem>>, vector<1x1x256x384xf32>,
    %swap3A_232 = arith.constant 0 : index
    %swap3A_233 = arith.constant 2 : index
    %swap3A_234 = arith.constant 0 : index
    %swap3A_235 = arith.constant 384 : index
    %swap3A_236 = vector.load %arg4[%swap3A_232, %swap3A_233, %swap3A_234, %swap3A_235] : memref<1x20x256x512xf32, #tpu.memory_space<vmem>>, vector<1x1x256x128xf32>
    %swap3A_237 = vector.shape_cast %swap3A_236 : vector<1x1x256x128xf32> to vector<256x128xf32>
    %swap3A_238 = vector.shape_cast %broadcast_in_dim3A_1 : vector<256x128xf32> to vector<1x1x256x128xf32>
    tpu.vector_store %arg4[%swap3A_232, %swap3A_233, %swap3A_234, %swap3A_235], %swap3A_238 {strides = array<i32>} : memref<1x20x256x512xf32, #tpu.memory_space<vmem>>, vector<1x1x256x128xf32>,
    %mul3A_239 = arith.constant 20 : i32
    %mul3A_240 = arith.muli %arg0, %mul3A_239 : i32
    %add3A_241 = arith.constant 3 : i32
    %add3A_242 = arith.addi %mul3A_240, %add3A_241 : i32
    %get3A_243 = arith.index_cast %add3A_242 : i32 to index
    %get3A_244 = memref.load %arg1[%get3A_243] : memref<200xi32, #tpu.memory_space<smem>>
    %add3A_245 = arith.constant 10 : i32
    %add3A_246 = arith.addi %get3A_244, %add3A_245 : i32
    %jit3A_247 = arith.constant 0 : i32
    %jit3A_248 = arith.constant 18 : i32
    %max3A_249 = arith.maxsi %jit3A_247, %add3A_246 : i32
    %min3A_250 = arith.minsi %jit3A_248, %max3A_249 : i32
    %get3A_251 = arith.index_cast %add3A_242 : i32 to index
    %get3A_252 = arith.constant 1 : index
    %get3A_253 = memref.load %arg2[%get3A_251, %get3A_252] : memref<200x5xf32, #tpu.memory_space<smem>>
    %mul3A_254 = arith.constant 2.500000e-01 : f32
    %mul3A_255 = arith.mulf %get3A_253, %mul3A_254 : f32
    %floor3A_256 = math.floor %mul3A_255 : f32
    %convert_element_type3A_257 = arith.fptosi %floor3A_256 : f32 to i32
    %get3A_258 = arith.index_cast %add3A_242 : i32 to index
    %get3A_259 = arith.constant 2 : index
    %get3A_260 = memref.load %arg2[%get3A_258, %get3A_259] : memref<200x5xf32, #tpu.memory_space<smem>>
    %mul3A_261 = arith.constant 2.500000e-01 : f32
    %mul3A_262 = arith.mulf %get3A_260, %mul3A_261 : f32
    %floor3A_263 = math.floor %mul3A_262 : f32
    %convert_element_type3A_264 = arith.fptosi %floor3A_263 : f32 to i32
    %get3A_265 = arith.index_cast %add3A_242 : i32 to index
    %get3A_266 = arith.constant 3 : index
    %get3A_267 = memref.load %arg2[%get3A_265, %get3A_266] : memref<200x5xf32, #tpu.memory_space<smem>>
    %mul3A_268 = arith.constant 2.500000e-01 : f32
    %mul3A_269 = arith.mulf %get3A_267, %mul3A_268 : f32
    %round3A_270 = math.roundeven %mul3A_269 : f32
    %add3A_271 = arith.constant 1.000000e+00 : f32
    %add3A_272 = arith.addf %round3A_270, %add3A_271 : f32
    %convert_element_type3A_273 = arith.fptosi %add3A_272 : f32 to i32
    %get3A_274 = arith.index_cast %add3A_242 : i32 to index
    %get3A_275 = arith.constant 4 : index
    %get3A_276 = memref.load %arg2[%get3A_274, %get3A_275] : memref<200x5xf32, #tpu.memory_space<smem>>
    %mul3A_277 = arith.constant 2.500000e-01 : f32
    %mul3A_278 = arith.mulf %get3A_276, %mul3A_277 : f32
    %round3A_279 = math.roundeven %mul3A_278 : f32
    %add3A_280 = arith.constant 1.000000e+00 : f32
    %add3A_281 = arith.addf %round3A_279, %add3A_280 : f32
    %convert_element_type3A_282 = arith.fptosi %add3A_281 : f32 to i32
    %ge3A_283 = vector.broadcast %convert_element_type3A_264 : i32 to vector<256x1xi32>
    %ge3A_284 = arith.cmpi sge, %iota3A, %ge3A_283 : vector<256x1xi32>
    %lt3A_285 = vector.broadcast %convert_element_type3A_282 : i32 to vector<256x1xi32>
    %lt3A_286 = arith.cmpi slt, %iota3A, %lt3A_285 : vector<256x1xi32>
    %and3A_287 = arith.andi %ge3A_284, %lt3A_286 : vector<256x1xi1>
    %ne3A_288 = arith.constant 0 : i32
    %ne3A_289 = arith.cmpi ne, %get3A_244, %ne3A_288 : i32
    %and3A_290 = vector.broadcast %ne3A_289 : i1 to vector<256x1xi1>
    %and3A_291 = arith.andi %and3A_287, %and3A_290 : vector<256x1xi1>
    %ge3A_292 = vector.broadcast %convert_element_type3A_257 : i32 to vector<1x384xi32>
    %ge3A_293 = arith.cmpi sge, %iota3A_0, %ge3A_292 : vector<1x384xi32>
    %lt3A_294 = vector.broadcast %convert_element_type3A_273 : i32 to vector<1x384xi32>
    %lt3A_295 = arith.cmpi slt, %iota3A_0, %lt3A_294 : vector<1x384xi32>
    %and3A_296 = arith.andi %ge3A_293, %lt3A_295 : vector<1x384xi1>
    %and3A_297 = vector.broadcast %and3A_291 : vector<256x1xi1> to vector<256x384xi1>
    %and3A_298 = vector.broadcast %and3A_296 : vector<1x384xi1> to vector<256x384xi1>
    %and3A_299 = arith.andi %and3A_297, %and3A_298 : vector<256x384xi1>
    %get3A_300 = arith.constant 0 : index
    %get3A_301 = arith.index_cast %min3A_250 : i32 to index
    %get3A_302 = arith.constant 0 : index
    %get3A_303 = arith.constant 0 : index
    %get3A_304 = vector.load %arg3[%get3A_300, %get3A_301, %get3A_302, %get3A_303] : memref<1x19x256x512xf32, #tpu.memory_space<vmem>>, vector<1x1x256x384xf32>
    %get3A_305 = vector.shape_cast %get3A_304 : vector<1x1x256x384xf32> to vector<256x384xf32>
    %jit3A_306 = arith.constant 0.000000e+00 : f32
    %broadcast_in_dim3A_307 = vector.broadcast %jit3A_306 : f32 to vector<256x384xf32>
    %select_n3A_308 = arith.select %and3A_299, %get3A_305, %broadcast_in_dim3A_307 : vector<256x384xi1>, vector<256x384xf32>
    %swap3A_309 = arith.constant 0 : index
    %swap3A_310 = arith.constant 3 : index
    %swap3A_311 = arith.constant 0 : index
    %swap3A_312 = arith.constant 0 : index
    %swap3A_313 = vector.load %arg4[%swap3A_309, %swap3A_310, %swap3A_311, %swap3A_312] : memref<1x20x256x512xf32, #tpu.memory_space<vmem>>, vector<1x1x256x384xf32>
    %swap3A_314 = vector.shape_cast %swap3A_313 : vector<1x1x256x384xf32> to vector<256x384xf32>
    %swap3A_315 = vector.shape_cast %select_n3A_308 : vector<256x384xf32> to vector<1x1x256x384xf32>
    tpu.vector_store %arg4[%swap3A_309, %swap3A_310, %swap3A_311, %swap3A_312], %swap3A_315 {strides = array<i32>} : memref<1x20x256x512xf32, #tpu.memory_space<vmem>>, vector<1x1x256x384xf32>,
    %swap3A_316 = arith.constant 0 : index
    %swap3A_317 = arith.constant 3 : index
    %swap3A_318 = arith.constant 0 : index
    %swap3A_319 = arith.constant 384 : index
    %swap3A_320 = vector.load %arg4[%swap3A_316, %swap3A_317, %swap3A_318, %swap3A_319] : memref<1x20x256x512xf32, #tpu.memory_space<vmem>>, vector<1x1x256x128xf32>
    %swap3A_321 = vector.shape_cast %swap3A_320 : vector<1x1x256x128xf32> to vector<256x128xf32>
    %swap3A_322 = vector.shape_cast %broadcast_in_dim3A_1 : vector<256x128xf32> to vector<1x1x256x128xf32>
    tpu.vector_store %arg4[%swap3A_316, %swap3A_317, %swap3A_318, %swap3A_319], %swap3A_322 {strides = array<i32>} : memref<1x20x256x512xf32, #tpu.memory_space<vmem>>, vector<1x1x256x128xf32>,
    %mul3A_323 = arith.constant 20 : i32
    %mul3A_324 = arith.muli %arg0, %mul3A_323 : i32
    %add3A_325 = arith.constant 4 : i32
    %add3A_326 = arith.addi %mul3A_324, %add3A_325 : i32
    %get3A_327 = arith.index_cast %add3A_326 : i32 to index
    %get3A_328 = memref.load %arg1[%get3A_327] : memref<200xi32, #tpu.memory_space<smem>>
    %add3A_329 = arith.constant 10 : i32
    %add3A_330 = arith.addi %get3A_328, %add3A_329 : i32
    %jit3A_331 = arith.constant 0 : i32
    %jit3A_332 = arith.constant 18 : i32
    %max3A_333 = arith.maxsi %jit3A_331, %add3A_330 : i32
    %min3A_334 = arith.minsi %jit3A_332, %max3A_333 : i32
    %get3A_335 = arith.index_cast %add3A_326 : i32 to index
    %get3A_336 = arith.constant 1 : index
    %get3A_337 = memref.load %arg2[%get3A_335, %get3A_336] : memref<200x5xf32, #tpu.memory_space<smem>>
    %mul3A_338 = arith.constant 2.500000e-01 : f32
    %mul3A_339 = arith.mulf %get3A_337, %mul3A_338 : f32
    %floor3A_340 = math.floor %mul3A_339 : f32
    %convert_element_type3A_341 = arith.fptosi %floor3A_340 : f32 to i32
    %get3A_342 = arith.index_cast %add3A_326 : i32 to index
    %get3A_343 = arith.constant 2 : index
    %get3A_344 = memref.load %arg2[%get3A_342, %get3A_343] : memref<200x5xf32, #tpu.memory_space<smem>>
    %mul3A_345 = arith.constant 2.500000e-01 : f32
    %mul3A_346 = arith.mulf %get3A_344, %mul3A_345 : f32
    %floor3A_347 = math.floor %mul3A_346 : f32
    %convert_element_type3A_348 = arith.fptosi %floor3A_347 : f32 to i32
    %get3A_349 = arith.index_cast %add3A_326 : i32 to index
    %get3A_350 = arith.constant 3 : index
    %get3A_351 = memref.load %arg2[%get3A_349, %get3A_350] : memref<200x5xf32, #tpu.memory_space<smem>>
    %mul3A_352 = arith.constant 2.500000e-01 : f32
    %mul3A_353 = arith.mulf %get3A_351, %mul3A_352 : f32
    %round3A_354 = math.roundeven %mul3A_353 : f32
    %add3A_355 = arith.constant 1.000000e+00 : f32
    %add3A_356 = arith.addf %round3A_354, %add3A_355 : f32
    %convert_element_type3A_357 = arith.fptosi %add3A_356 : f32 to i32
    %get3A_358 = arith.index_cast %add3A_326 : i32 to index
    %get3A_359 = arith.constant 4 : index
    %get3A_360 = memref.load %arg2[%get3A_358, %get3A_359] : memref<200x5xf32, #tpu.memory_space<smem>>
    %mul3A_361 = arith.constant 2.500000e-01 : f32
    %mul3A_362 = arith.mulf %get3A_360, %mul3A_361 : f32
    %round3A_363 = math.roundeven %mul3A_362 : f32
    %add3A_364 = arith.constant 1.000000e+00 : f32
    %add3A_365 = arith.addf %round3A_363, %add3A_364 : f32
    %convert_element_type3A_366 = arith.fptosi %add3A_365 : f32 to i32
    %ge3A_367 = vector.broadcast %convert_element_type3A_348 : i32 to vector<256x1xi32>
    %ge3A_368 = arith.cmpi sge, %iota3A, %ge3A_367 : vector<256x1xi32>
    %lt3A_369 = vector.broadcast %convert_element_type3A_366 : i32 to vector<256x1xi32>
    %lt3A_370 = arith.cmpi slt, %iota3A, %lt3A_369 : vector<256x1xi32>
    %and3A_371 = arith.andi %ge3A_368, %lt3A_370 : vector<256x1xi1>
    %ne3A_372 = arith.constant 0 : i32
    %ne3A_373 = arith.cmpi ne, %get3A_328, %ne3A_372 : i32
    %and3A_374 = vector.broadcast %ne3A_373 : i1 to vector<256x1xi1>
    %and3A_375 = arith.andi %and3A_371, %and3A_374 : vector<256x1xi1>
    %ge3A_376 = vector.broadcast %convert_element_type3A_341 : i32 to vector<1x384xi32>
    %ge3A_377 = arith.cmpi sge, %iota3A_0, %ge3A_376 : vector<1x384xi32>
    %lt3A_378 = vector.broadcast %convert_element_type3A_357 : i32 to vector<1x384xi32>
    %lt3A_379 = arith.cmpi slt, %iota3A_0, %lt3A_378 : vector<1x384xi32>
    %and3A_380 = arith.andi %ge3A_377, %lt3A_379 : vector<1x384xi1>
    %and3A_381 = vector.broadcast %and3A_375 : vector<256x1xi1> to vector<256x384xi1>
    %and3A_382 = vector.broadcast %and3A_380 : vector<1x384xi1> to vector<256x384xi1>
    %and3A_383 = arith.andi %and3A_381, %and3A_382 : vector<256x384xi1>
    %get3A_384 = arith.constant 0 : index
    %get3A_385 = arith.index_cast %min3A_334 : i32 to index
    %get3A_386 = arith.constant 0 : index
    %get3A_387 = arith.constant 0 : index
    %get3A_388 = vector.load %arg3[%get3A_384, %get3A_385, %get3A_386, %get3A_387] : memref<1x19x256x512xf32, #tpu.memory_space<vmem>>, vector<1x1x256x384xf32>
    %get3A_389 = vector.shape_cast %get3A_388 : vector<1x1x256x384xf32> to vector<256x384xf32>
    %jit3A_390 = arith.constant 0.000000e+00 : f32
    %broadcast_in_dim3A_391 = vector.broadcast %jit3A_390 : f32 to vector<256x384xf32>
    %select_n3A_392 = arith.select %and3A_383, %get3A_389, %broadcast_in_dim3A_391 : vector<256x384xi1>, vector<256x384xf32>
    %swap3A_393 = arith.constant 0 : index
    %swap3A_394 = arith.constant 4 : index
    %swap3A_395 = arith.constant 0 : index
    %swap3A_396 = arith.constant 0 : index
    %swap3A_397 = vector.load %arg4[%swap3A_393, %swap3A_394, %swap3A_395, %swap3A_396] : memref<1x20x256x512xf32, #tpu.memory_space<vmem>>, vector<1x1x256x384xf32>
    %swap3A_398 = vector.shape_cast %swap3A_397 : vector<1x1x256x384xf32> to vector<256x384xf32>
    %swap3A_399 = vector.shape_cast %select_n3A_392 : vector<256x384xf32> to vector<1x1x256x384xf32>
    tpu.vector_store %arg4[%swap3A_393, %swap3A_394, %swap3A_395, %swap3A_396], %swap3A_399 {strides = array<i32>} : memref<1x20x256x512xf32, #tpu.memory_space<vmem>>, vector<1x1x256x384xf32>,
    %swap3A_400 = arith.constant 0 : index
    %swap3A_401 = arith.constant 4 : index
    %swap3A_402 = arith.constant 0 : index
    %swap3A_403 = arith.constant 384 : index
    %swap3A_404 = vector.load %arg4[%swap3A_400, %swap3A_401, %swap3A_402, %swap3A_403] : memref<1x20x256x512xf32, #tpu.memory_space<vmem>>, vector<1x1x256x128xf32>
    %swap3A_405 = vector.shape_cast %swap3A_404 : vector<1x1x256x128xf32> to vector<256x128xf32>
    %swap3A_406 = vector.shape_cast %broadcast_in_dim3A_1 : vector<256x128xf32> to vector<1x1x256x128xf32>
    tpu.vector_store %arg4[%swap3A_400, %swap3A_401, %swap3A_402, %swap3A_403], %swap3A_406 {strides = array<i32>} : memref<1x20x256x512xf32, #tpu.memory_space<vmem>>, vector<1x1x256x128xf32>,
    %mul3A_407 = arith.constant 20 : i32
    %mul3A_408 = arith.muli %arg0, %mul3A_407 : i32
    %add3A_409 = arith.constant 5 : i32
    %add3A_410 = arith.addi %mul3A_408, %add3A_409 : i32
    %get3A_411 = arith.index_cast %add3A_410 : i32 to index
    %get3A_412 = memref.load %arg1[%get3A_411] : memref<200xi32, #tpu.memory_space<smem>>
    %add3A_413 = arith.constant 10 : i32
    %add3A_414 = arith.addi %get3A_412, %add3A_413 : i32
    %jit3A_415 = arith.constant 0 : i32
    %jit3A_416 = arith.constant 18 : i32
    %max3A_417 = arith.maxsi %jit3A_415, %add3A_414 : i32
    %min3A_418 = arith.minsi %jit3A_416, %max3A_417 : i32
    %get3A_419 = arith.index_cast %add3A_410 : i32 to index
    %get3A_420 = arith.constant 1 : index
    %get3A_421 = memref.load %arg2[%get3A_419, %get3A_420] : memref<200x5xf32, #tpu.memory_space<smem>>
    %mul3A_422 = arith.constant 2.500000e-01 : f32
    %mul3A_423 = arith.mulf %get3A_421, %mul3A_422 : f32
    %floor3A_424 = math.floor %mul3A_423 : f32
    %convert_element_type3A_425 = arith.fptosi %floor3A_424 : f32 to i32
    %get3A_426 = arith.index_cast %add3A_410 : i32 to index
    %get3A_427 = arith.constant 2 : index
    %get3A_428 = memref.load %arg2[%get3A_426, %get3A_427] : memref<200x5xf32, #tpu.memory_space<smem>>
    %mul3A_429 = arith.constant 2.500000e-01 : f32
    %mul3A_430 = arith.mulf %get3A_428, %mul3A_429 : f32
    %floor3A_431 = math.floor %mul3A_430 : f32
    %convert_element_type3A_432 = arith.fptosi %floor3A_431 : f32 to i32
    %get3A_433 = arith.index_cast %add3A_410 : i32 to index
    %get3A_434 = arith.constant 3 : index
    %get3A_435 = memref.load %arg2[%get3A_433, %get3A_434] : memref<200x5xf32, #tpu.memory_space<smem>>
    %mul3A_436 = arith.constant 2.500000e-01 : f32
    %mul3A_437 = arith.mulf %get3A_435, %mul3A_436 : f32
    %round3A_438 = math.roundeven %mul3A_437 : f32
    %add3A_439 = arith.constant 1.000000e+00 : f32
    %add3A_440 = arith.addf %round3A_438, %add3A_439 : f32
    %convert_element_type3A_441 = arith.fptosi %add3A_440 : f32 to i32
    %get3A_442 = arith.index_cast %add3A_410 : i32 to index
    %get3A_443 = arith.constant 4 : index
    %get3A_444 = memref.load %arg2[%get3A_442, %get3A_443] : memref<200x5xf32, #tpu.memory_space<smem>>
    %mul3A_445 = arith.constant 2.500000e-01 : f32
    %mul3A_446 = arith.mulf %get3A_444, %mul3A_445 : f32
    %round3A_447 = math.roundeven %mul3A_446 : f32
    %add3A_448 = arith.constant 1.000000e+00 : f32
    %add3A_449 = arith.addf %round3A_447, %add3A_448 : f32
    %convert_element_type3A_450 = arith.fptosi %add3A_449 : f32 to i32
    %ge3A_451 = vector.broadcast %convert_element_type3A_432 : i32 to vector<256x1xi32>
    %ge3A_452 = arith.cmpi sge, %iota3A, %ge3A_451 : vector<256x1xi32>
    %lt3A_453 = vector.broadcast %convert_element_type3A_450 : i32 to vector<256x1xi32>
    %lt3A_454 = arith.cmpi slt, %iota3A, %lt3A_453 : vector<256x1xi32>
    %and3A_455 = arith.andi %ge3A_452, %lt3A_454 : vector<256x1xi1>
    %ne3A_456 = arith.constant 0 : i32
    %ne3A_457 = arith.cmpi ne, %get3A_412, %ne3A_456 : i32
    %and3A_458 = vector.broadcast %ne3A_457 : i1 to vector<256x1xi1>
    %and3A_459 = arith.andi %and3A_455, %and3A_458 : vector<256x1xi1>
    %ge3A_460 = vector.broadcast %convert_element_type3A_425 : i32 to vector<1x384xi32>
    %ge3A_461 = arith.cmpi sge, %iota3A_0, %ge3A_460 : vector<1x384xi32>
    %lt3A_462 = vector.broadcast %convert_element_type3A_441 : i32 to vector<1x384xi32>
    %lt3A_463 = arith.cmpi slt, %iota3A_0, %lt3A_462 : vector<1x384xi32>
    %and3A_464 = arith.andi %ge3A_461, %lt3A_463 : vector<1x384xi1>
    %and3A_465 = vector.broadcast %and3A_459 : vector<256x1xi1> to vector<256x384xi1>
    %and3A_466 = vector.broadcast %and3A_464 : vector<1x384xi1> to vector<256x384xi1>
    %and3A_467 = arith.andi %and3A_465, %and3A_466 : vector<256x384xi1>
    %get3A_468 = arith.constant 0 : index
    %get3A_469 = arith.index_cast %min3A_418 : i32 to index
    %get3A_470 = arith.constant 0 : index
    %get3A_471 = arith.constant 0 : index
    %get3A_472 = vector.load %arg3[%get3A_468, %get3A_469, %get3A_470, %get3A_471] : memref<1x19x256x512xf32, #tpu.memory_space<vmem>>, vector<1x1x256x384xf32>
    %get3A_473 = vector.shape_cast %get3A_472 : vector<1x1x256x384xf32> to vector<256x384xf32>
    %jit3A_474 = arith.constant 0.000000e+00 : f32
    %broadcast_in_dim3A_475 = vector.broadcast %jit3A_474 : f32 to vector<256x384xf32>
    %select_n3A_476 = arith.select %and3A_467, %get3A_473, %broadcast_in_dim3A_475 : vector<256x384xi1>, vector<256x384xf32>
    %swap3A_477 = arith.constant 0 : index
    %swap3A_478 = arith.constant 5 : index
    %swap3A_479 = arith.constant 0 : index
    %swap3A_480 = arith.constant 0 : index
    %swap3A_481 = vector.load %arg4[%swap3A_477, %swap3A_478, %swap3A_479, %swap3A_480] : memref<1x20x256x512xf32, #tpu.memory_space<vmem>>, vector<1x1x256x384xf32>
    %swap3A_482 = vector.shape_cast %swap3A_481 : vector<1x1x256x384xf32> to vector<256x384xf32>
    %swap3A_483 = vector.shape_cast %select_n3A_476 : vector<256x384xf32> to vector<1x1x256x384xf32>
    tpu.vector_store %arg4[%swap3A_477, %swap3A_478, %swap3A_479, %swap3A_480], %swap3A_483 {strides = array<i32>} : memref<1x20x256x512xf32, #tpu.memory_space<vmem>>, vector<1x1x256x384xf32>,
    %swap3A_484 = arith.constant 0 : index
    %swap3A_485 = arith.constant 5 : index
    %swap3A_486 = arith.constant 0 : index
    %swap3A_487 = arith.constant 384 : index
    %swap3A_488 = vector.load %arg4[%swap3A_484, %swap3A_485, %swap3A_486, %swap3A_487] : memref<1x20x256x512xf32, #tpu.memory_space<vmem>>, vector<1x1x256x128xf32>
    %swap3A_489 = vector.shape_cast %swap3A_488 : vector<1x1x256x128xf32> to vector<256x128xf32>
    %swap3A_490 = vector.shape_cast %broadcast_in_dim3A_1 : vector<256x128xf32> to vector<1x1x256x128xf32>
    tpu.vector_store %arg4[%swap3A_484, %swap3A_485, %swap3A_486, %swap3A_487], %swap3A_490 {strides = array<i32>} : memref<1x20x256x512xf32, #tpu.memory_space<vmem>>, vector<1x1x256x128xf32>,
    %mul3A_491 = arith.constant 20 : i32
    %mul3A_492 = arith.muli %arg0, %mul3A_491 : i32
    %add3A_493 = arith.constant 6 : i32
    %add3A_494 = arith.addi %mul3A_492, %add3A_493 : i32
    %get3A_495 = arith.index_cast %add3A_494 : i32 to index
    %get3A_496 = memref.load %arg1[%get3A_495] : memref<200xi32, #tpu.memory_space<smem>>
    %add3A_497 = arith.constant 10 : i32
    %add3A_498 = arith.addi %get3A_496, %add3A_497 : i32
    %jit3A_499 = arith.constant 0 : i32
    %jit3A_500 = arith.constant 18 : i32
    %max3A_501 = arith.maxsi %jit3A_499, %add3A_498 : i32
    %min3A_502 = arith.minsi %jit3A_500, %max3A_501 : i32
    %get3A_503 = arith.index_cast %add3A_494 : i32 to index
    %get3A_504 = arith.constant 1 : index
    %get3A_505 = memref.load %arg2[%get3A_503, %get3A_504] : memref<200x5xf32, #tpu.memory_space<smem>>
    %mul3A_506 = arith.constant 2.500000e-01 : f32
    %mul3A_507 = arith.mulf %get3A_505, %mul3A_506 : f32
    %floor3A_508 = math.floor %mul3A_507 : f32
    %convert_element_type3A_509 = arith.fptosi %floor3A_508 : f32 to i32
    %get3A_510 = arith.index_cast %add3A_494 : i32 to index
    %get3A_511 = arith.constant 2 : index
    %get3A_512 = memref.load %arg2[%get3A_510, %get3A_511] : memref<200x5xf32, #tpu.memory_space<smem>>
    %mul3A_513 = arith.constant 2.500000e-01 : f32
    %mul3A_514 = arith.mulf %get3A_512, %mul3A_513 : f32
    %floor3A_515 = math.floor %mul3A_514 : f32
    %convert_element_type3A_516 = arith.fptosi %floor3A_515 : f32 to i32
    %get3A_517 = arith.index_cast %add3A_494 : i32 to index
    %get3A_518 = arith.constant 3 : index
    %get3A_519 = memref.load %arg2[%get3A_517, %get3A_518] : memref<200x5xf32, #tpu.memory_space<smem>>
    %mul3A_520 = arith.constant 2.500000e-01 : f32
    %mul3A_521 = arith.mulf %get3A_519, %mul3A_520 : f32
    %round3A_522 = math.roundeven %mul3A_521 : f32
    %add3A_523 = arith.constant 1.000000e+00 : f32
    %add3A_524 = arith.addf %round3A_522, %add3A_523 : f32
    %convert_element_type3A_525 = arith.fptosi %add3A_524 : f32 to i32
    %get3A_526 = arith.index_cast %add3A_494 : i32 to index
    %get3A_527 = arith.constant 4 : index
    %get3A_528 = memref.load %arg2[%get3A_526, %get3A_527] : memref<200x5xf32, #tpu.memory_space<smem>>
    %mul3A_529 = arith.constant 2.500000e-01 : f32
    %mul3A_530 = arith.mulf %get3A_528, %mul3A_529 : f32
    %round3A_531 = math.roundeven %mul3A_530 : f32
    %add3A_532 = arith.constant 1.000000e+00 : f32
    %add3A_533 = arith.addf %round3A_531, %add3A_532 : f32
    %convert_element_type3A_534 = arith.fptosi %add3A_533 : f32 to i32
    %ge3A_535 = vector.broadcast %convert_element_type3A_516 : i32 to vector<256x1xi32>
    %ge3A_536 = arith.cmpi sge, %iota3A, %ge3A_535 : vector<256x1xi32>
    %lt3A_537 = vector.broadcast %convert_element_type3A_534 : i32 to vector<256x1xi32>
    %lt3A_538 = arith.cmpi slt, %iota3A, %lt3A_537 : vector<256x1xi32>
    %and3A_539 = arith.andi %ge3A_536, %lt3A_538 : vector<256x1xi1>
    %ne3A_540 = arith.constant 0 : i32
    %ne3A_541 = arith.cmpi ne, %get3A_496, %ne3A_540 : i32
    %and3A_542 = vector.broadcast %ne3A_541 : i1 to vector<256x1xi1>
    %and3A_543 = arith.andi %and3A_539, %and3A_542 : vector<256x1xi1>
    %ge3A_544 = vector.broadcast %convert_element_type3A_509 : i32 to vector<1x384xi32>
    %ge3A_545 = arith.cmpi sge, %iota3A_0, %ge3A_544 : vector<1x384xi32>
    %lt3A_546 = vector.broadcast %convert_element_type3A_525 : i32 to vector<1x384xi32>
    %lt3A_547 = arith.cmpi slt, %iota3A_0, %lt3A_546 : vector<1x384xi32>
    %and3A_548 = arith.andi %ge3A_545, %lt3A_547 : vector<1x384xi1>
    %and3A_549 = vector.broadcast %and3A_543 : vector<256x1xi1> to vector<256x384xi1>
    %and3A_550 = vector.broadcast %and3A_548 : vector<1x384xi1> to vector<256x384xi1>
    %and3A_551 = arith.andi %and3A_549, %and3A_550 : vector<256x384xi1>
    %get3A_552 = arith.constant 0 : index
    %get3A_553 = arith.index_cast %min3A_502 : i32 to index
    %get3A_554 = arith.constant 0 : index
    %get3A_555 = arith.constant 0 : index
    %get3A_556 = vector.load %arg3[%get3A_552, %get3A_553, %get3A_554, %get3A_555] : memref<1x19x256x512xf32, #tpu.memory_space<vmem>>, vector<1x1x256x384xf32>
    %get3A_557 = vector.shape_cast %get3A_556 : vector<1x1x256x384xf32> to vector<256x384xf32>
    %jit3A_558 = arith.constant 0.000000e+00 : f32
    %broadcast_in_dim3A_559 = vector.broadcast %jit3A_558 : f32 to vector<256x384xf32>
    %select_n3A_560 = arith.select %and3A_551, %get3A_557, %broadcast_in_dim3A_559 : vector<256x384xi1>, vector<256x384xf32>
    %swap3A_561 = arith.constant 0 : index
    %swap3A_562 = arith.constant 6 : index
    %swap3A_563 = arith.constant 0 : index
    %swap3A_564 = arith.constant 0 : index
    %swap3A_565 = vector.load %arg4[%swap3A_561, %swap3A_562, %swap3A_563, %swap3A_564] : memref<1x20x256x512xf32, #tpu.memory_space<vmem>>, vector<1x1x256x384xf32>
    %swap3A_566 = vector.shape_cast %swap3A_565 : vector<1x1x256x384xf32> to vector<256x384xf32>
    %swap3A_567 = vector.shape_cast %select_n3A_560 : vector<256x384xf32> to vector<1x1x256x384xf32>
    tpu.vector_store %arg4[%swap3A_561, %swap3A_562, %swap3A_563, %swap3A_564], %swap3A_567 {strides = array<i32>} : memref<1x20x256x512xf32, #tpu.memory_space<vmem>>, vector<1x1x256x384xf32>,
    %swap3A_568 = arith.constant 0 : index
    %swap3A_569 = arith.constant 6 : index
    %swap3A_570 = arith.constant 0 : index
    %swap3A_571 = arith.constant 384 : index
    %swap3A_572 = vector.load %arg4[%swap3A_568, %swap3A_569, %swap3A_570, %swap3A_571] : memref<1x20x256x512xf32, #tpu.memory_space<vmem>>, vector<1x1x256x128xf32>
    %swap3A_573 = vector.shape_cast %swap3A_572 : vector<1x1x256x128xf32> to vector<256x128xf32>
    %swap3A_574 = vector.shape_cast %broadcast_in_dim3A_1 : vector<256x128xf32> to vector<1x1x256x128xf32>
    tpu.vector_store %arg4[%swap3A_568, %swap3A_569, %swap3A_570, %swap3A_571], %swap3A_574 {strides = array<i32>} : memref<1x20x256x512xf32, #tpu.memory_space<vmem>>, vector<1x1x256x128xf32>,
    %mul3A_575 = arith.constant 20 : i32
    %mul3A_576 = arith.muli %arg0, %mul3A_575 : i32
    %add3A_577 = arith.constant 7 : i32
    %add3A_578 = arith.addi %mul3A_576, %add3A_577 : i32
    %get3A_579 = arith.index_cast %add3A_578 : i32 to index
    %get3A_580 = memref.load %arg1[%get3A_579] : memref<200xi32, #tpu.memory_space<smem>>
    %add3A_581 = arith.constant 10 : i32
    %add3A_582 = arith.addi %get3A_580, %add3A_581 : i32
    %jit3A_583 = arith.constant 0 : i32
    %jit3A_584 = arith.constant 18 : i32
    %max3A_585 = arith.maxsi %jit3A_583, %add3A_582 : i32
    %min3A_586 = arith.minsi %jit3A_584, %max3A_585 : i32
    %get3A_587 = arith.index_cast %add3A_578 : i32 to index
    %get3A_588 = arith.constant 1 : index
    %get3A_589 = memref.load %arg2[%get3A_587, %get3A_588] : memref<200x5xf32, #tpu.memory_space<smem>>
    %mul3A_590 = arith.constant 2.500000e-01 : f32
    %mul3A_591 = arith.mulf %get3A_589, %mul3A_590 : f32
    %floor3A_592 = math.floor %mul3A_591 : f32
    %convert_element_type3A_593 = arith.fptosi %floor3A_592 : f32 to i32
    %get3A_594 = arith.index_cast %add3A_578 : i32 to index
    %get3A_595 = arith.constant 2 : index
    %get3A_596 = memref.load %arg2[%get3A_594, %get3A_595] : memref<200x5xf32, #tpu.memory_space<smem>>
    %mul3A_597 = arith.constant 2.500000e-01 : f32
    %mul3A_598 = arith.mulf %get3A_596, %mul3A_597 : f32
    %floor3A_599 = math.floor %mul3A_598 : f32
    %convert_element_type3A_600 = arith.fptosi %floor3A_599 : f32 to i32
    %get3A_601 = arith.index_cast %add3A_578 : i32 to index
    %get3A_602 = arith.constant 3 : index
    %get3A_603 = memref.load %arg2[%get3A_601, %get3A_602] : memref<200x5xf32, #tpu.memory_space<smem>>
    %mul3A_604 = arith.constant 2.500000e-01 : f32
    %mul3A_605 = arith.mulf %get3A_603, %mul3A_604 : f32
    %round3A_606 = math.roundeven %mul3A_605 : f32
    %add3A_607 = arith.constant 1.000000e+00 : f32
    %add3A_608 = arith.addf %round3A_606, %add3A_607 : f32
    %convert_element_type3A_609 = arith.fptosi %add3A_608 : f32 to i32
    %get3A_610 = arith.index_cast %add3A_578 : i32 to index
    %get3A_611 = arith.constant 4 : index
    %get3A_612 = memref.load %arg2[%get3A_610, %get3A_611] : memref<200x5xf32, #tpu.memory_space<smem>>
    %mul3A_613 = arith.constant 2.500000e-01 : f32
    %mul3A_614 = arith.mulf %get3A_612, %mul3A_613 : f32
    %round3A_615 = math.roundeven %mul3A_614 : f32
    %add3A_616 = arith.constant 1.000000e+00 : f32
    %add3A_617 = arith.addf %round3A_615, %add3A_616 : f32
    %convert_element_type3A_618 = arith.fptosi %add3A_617 : f32 to i32
    %ge3A_619 = vector.broadcast %convert_element_type3A_600 : i32 to vector<256x1xi32>
    %ge3A_620 = arith.cmpi sge, %iota3A, %ge3A_619 : vector<256x1xi32>
    %lt3A_621 = vector.broadcast %convert_element_type3A_618 : i32 to vector<256x1xi32>
    %lt3A_622 = arith.cmpi slt, %iota3A, %lt3A_621 : vector<256x1xi32>
    %and3A_623 = arith.andi %ge3A_620, %lt3A_622 : vector<256x1xi1>
    %ne3A_624 = arith.constant 0 : i32
    %ne3A_625 = arith.cmpi ne, %get3A_580, %ne3A_624 : i32
    %and3A_626 = vector.broadcast %ne3A_625 : i1 to vector<256x1xi1>
    %and3A_627 = arith.andi %and3A_623, %and3A_626 : vector<256x1xi1>
    %ge3A_628 = vector.broadcast %convert_element_type3A_593 : i32 to vector<1x384xi32>
    %ge3A_629 = arith.cmpi sge, %iota3A_0, %ge3A_628 : vector<1x384xi32>
    %lt3A_630 = vector.broadcast %convert_element_type3A_609 : i32 to vector<1x384xi32>
    %lt3A_631 = arith.cmpi slt, %iota3A_0, %lt3A_630 : vector<1x384xi32>
    %and3A_632 = arith.andi %ge3A_629, %lt3A_631 : vector<1x384xi1>
    %and3A_633 = vector.broadcast %and3A_627 : vector<256x1xi1> to vector<256x384xi1>
    %and3A_634 = vector.broadcast %and3A_632 : vector<1x384xi1> to vector<256x384xi1>
    %and3A_635 = arith.andi %and3A_633, %and3A_634 : vector<256x384xi1>
    %get3A_636 = arith.constant 0 : index
    %get3A_637 = arith.index_cast %min3A_586 : i32 to index
    %get3A_638 = arith.constant 0 : index
    %get3A_639 = arith.constant 0 : index
    %get3A_640 = vector.load %arg3[%get3A_636, %get3A_637, %get3A_638, %get3A_639] : memref<1x19x256x512xf32, #tpu.memory_space<vmem>>, vector<1x1x256x384xf32>
    %get3A_641 = vector.shape_cast %get3A_640 : vector<1x1x256x384xf32> to vector<256x384xf32>
    %jit3A_642 = arith.constant 0.000000e+00 : f32
    %broadcast_in_dim3A_643 = vector.broadcast %jit3A_642 : f32 to vector<256x384xf32>
    %select_n3A_644 = arith.select %and3A_635, %get3A_641, %broadcast_in_dim3A_643 : vector<256x384xi1>, vector<256x384xf32>
    %swap3A_645 = arith.constant 0 : index
    %swap3A_646 = arith.constant 7 : index
    %swap3A_647 = arith.constant 0 : index
    %swap3A_648 = arith.constant 0 : index
    %swap3A_649 = vector.load %arg4[%swap3A_645, %swap3A_646, %swap3A_647, %swap3A_648] : memref<1x20x256x512xf32, #tpu.memory_space<vmem>>, vector<1x1x256x384xf32>
    %swap3A_650 = vector.shape_cast %swap3A_649 : vector<1x1x256x384xf32> to vector<256x384xf32>
    %swap3A_651 = vector.shape_cast %select_n3A_644 : vector<256x384xf32> to vector<1x1x256x384xf32>
    tpu.vector_store %arg4[%swap3A_645, %swap3A_646, %swap3A_647, %swap3A_648], %swap3A_651 {strides = array<i32>} : memref<1x20x256x512xf32, #tpu.memory_space<vmem>>, vector<1x1x256x384xf32>,
    %swap3A_652 = arith.constant 0 : index
    %swap3A_653 = arith.constant 7 : index
    %swap3A_654 = arith.constant 0 : index
    %swap3A_655 = arith.constant 384 : index
    %swap3A_656 = vector.load %arg4[%swap3A_652, %swap3A_653, %swap3A_654, %swap3A_655] : memref<1x20x256x512xf32, #tpu.memory_space<vmem>>, vector<1x1x256x128xf32>
    %swap3A_657 = vector.shape_cast %swap3A_656 : vector<1x1x256x128xf32> to vector<256x128xf32>
    %swap3A_658 = vector.shape_cast %broadcast_in_dim3A_1 : vector<256x128xf32> to vector<1x1x256x128xf32>
    tpu.vector_store %arg4[%swap3A_652, %swap3A_653, %swap3A_654, %swap3A_655], %swap3A_658 {strides = array<i32>} : memref<1x20x256x512xf32, #tpu.memory_space<vmem>>, vector<1x1x256x128xf32>,
    %mul3A_659 = arith.constant 20 : i32
    %mul3A_660 = arith.muli %arg0, %mul3A_659 : i32
    %add3A_661 = arith.constant 8 : i32
    %add3A_662 = arith.addi %mul3A_660, %add3A_661 : i32
    %get3A_663 = arith.index_cast %add3A_662 : i32 to index
    %get3A_664 = memref.load %arg1[%get3A_663] : memref<200xi32, #tpu.memory_space<smem>>
    %add3A_665 = arith.constant 10 : i32
    %add3A_666 = arith.addi %get3A_664, %add3A_665 : i32
    %jit3A_667 = arith.constant 0 : i32
    %jit3A_668 = arith.constant 18 : i32
    %max3A_669 = arith.maxsi %jit3A_667, %add3A_666 : i32
    %min3A_670 = arith.minsi %jit3A_668, %max3A_669 : i32
    %get3A_671 = arith.index_cast %add3A_662 : i32 to index
    %get3A_672 = arith.constant 1 : index
    %get3A_673 = memref.load %arg2[%get3A_671, %get3A_672] : memref<200x5xf32, #tpu.memory_space<smem>>
    %mul3A_674 = arith.constant 2.500000e-01 : f32
    %mul3A_675 = arith.mulf %get3A_673, %mul3A_674 : f32
    %floor3A_676 = math.floor %mul3A_675 : f32
    %convert_element_type3A_677 = arith.fptosi %floor3A_676 : f32 to i32
    %get3A_678 = arith.index_cast %add3A_662 : i32 to index
    %get3A_679 = arith.constant 2 : index
    %get3A_680 = memref.load %arg2[%get3A_678, %get3A_679] : memref<200x5xf32, #tpu.memory_space<smem>>
    %mul3A_681 = arith.constant 2.500000e-01 : f32
    %mul3A_682 = arith.mulf %get3A_680, %mul3A_681 : f32
    %floor3A_683 = math.floor %mul3A_682 : f32
    %convert_element_type3A_684 = arith.fptosi %floor3A_683 : f32 to i32
    %get3A_685 = arith.index_cast %add3A_662 : i32 to index
    %get3A_686 = arith.constant 3 : index
    %get3A_687 = memref.load %arg2[%get3A_685, %get3A_686] : memref<200x5xf32, #tpu.memory_space<smem>>
    %mul3A_688 = arith.constant 2.500000e-01 : f32
    %mul3A_689 = arith.mulf %get3A_687, %mul3A_688 : f32
    %round3A_690 = math.roundeven %mul3A_689 : f32
    %add3A_691 = arith.constant 1.000000e+00 : f32
    %add3A_692 = arith.addf %round3A_690, %add3A_691 : f32
    %convert_element_type3A_693 = arith.fptosi %add3A_692 : f32 to i32
    %get3A_694 = arith.index_cast %add3A_662 : i32 to index
    %get3A_695 = arith.constant 4 : index
    %get3A_696 = memref.load %arg2[%get3A_694, %get3A_695] : memref<200x5xf32, #tpu.memory_space<smem>>
    %mul3A_697 = arith.constant 2.500000e-01 : f32
    %mul3A_698 = arith.mulf %get3A_696, %mul3A_697 : f32
    %round3A_699 = math.roundeven %mul3A_698 : f32
    %add3A_700 = arith.constant 1.000000e+00 : f32
    %add3A_701 = arith.addf %round3A_699, %add3A_700 : f32
    %convert_element_type3A_702 = arith.fptosi %add3A_701 : f32 to i32
    %ge3A_703 = vector.broadcast %convert_element_type3A_684 : i32 to vector<256x1xi32>
    %ge3A_704 = arith.cmpi sge, %iota3A, %ge3A_703 : vector<256x1xi32>
    %lt3A_705 = vector.broadcast %convert_element_type3A_702 : i32 to vector<256x1xi32>
    %lt3A_706 = arith.cmpi slt, %iota3A, %lt3A_705 : vector<256x1xi32>
    %and3A_707 = arith.andi %ge3A_704, %lt3A_706 : vector<256x1xi1>
    %ne3A_708 = arith.constant 0 : i32
    %ne3A_709 = arith.cmpi ne, %get3A_664, %ne3A_708 : i32
    %and3A_710 = vector.broadcast %ne3A_709 : i1 to vector<256x1xi1>
    %and3A_711 = arith.andi %and3A_707, %and3A_710 : vector<256x1xi1>
    %ge3A_712 = vector.broadcast %convert_element_type3A_677 : i32 to vector<1x384xi32>
    %ge3A_713 = arith.cmpi sge, %iota3A_0, %ge3A_712 : vector<1x384xi32>
    %lt3A_714 = vector.broadcast %convert_element_type3A_693 : i32 to vector<1x384xi32>
    %lt3A_715 = arith.cmpi slt, %iota3A_0, %lt3A_714 : vector<1x384xi32>
    %and3A_716 = arith.andi %ge3A_713, %lt3A_715 : vector<1x384xi1>
    %and3A_717 = vector.broadcast %and3A_711 : vector<256x1xi1> to vector<256x384xi1>
    %and3A_718 = vector.broadcast %and3A_716 : vector<1x384xi1> to vector<256x384xi1>
    %and3A_719 = arith.andi %and3A_717, %and3A_718 : vector<256x384xi1>
    %get3A_720 = arith.constant 0 : index
    %get3A_721 = arith.index_cast %min3A_670 : i32 to index
    %get3A_722 = arith.constant 0 : index
    %get3A_723 = arith.constant 0 : index
    %get3A_724 = vector.load %arg3[%get3A_720, %get3A_721, %get3A_722, %get3A_723] : memref<1x19x256x512xf32, #tpu.memory_space<vmem>>, vector<1x1x256x384xf32>
    %get3A_725 = vector.shape_cast %get3A_724 : vector<1x1x256x384xf32> to vector<256x384xf32>
    %jit3A_726 = arith.constant 0.000000e+00 : f32
    %broadcast_in_dim3A_727 = vector.broadcast %jit3A_726 : f32 to vector<256x384xf32>
    %select_n3A_728 = arith.select %and3A_719, %get3A_725, %broadcast_in_dim3A_727 : vector<256x384xi1>, vector<256x384xf32>
    %swap3A_729 = arith.constant 0 : index
    %swap3A_730 = arith.constant 8 : index
    %swap3A_731 = arith.constant 0 : index
    %swap3A_732 = arith.constant 0 : index
    %swap3A_733 = vector.load %arg4[%swap3A_729, %swap3A_730, %swap3A_731, %swap3A_732] : memref<1x20x256x512xf32, #tpu.memory_space<vmem>>, vector<1x1x256x384xf32>
    %swap3A_734 = vector.shape_cast %swap3A_733 : vector<1x1x256x384xf32> to vector<256x384xf32>
    %swap3A_735 = vector.shape_cast %select_n3A_728 : vector<256x384xf32> to vector<1x1x256x384xf32>
    tpu.vector_store %arg4[%swap3A_729, %swap3A_730, %swap3A_731, %swap3A_732], %swap3A_735 {strides = array<i32>} : memref<1x20x256x512xf32, #tpu.memory_space<vmem>>, vector<1x1x256x384xf32>,
    %swap3A_736 = arith.constant 0 : index
    %swap3A_737 = arith.constant 8 : index
    %swap3A_738 = arith.constant 0 : index
    %swap3A_739 = arith.constant 384 : index
    %swap3A_740 = vector.load %arg4[%swap3A_736, %swap3A_737, %swap3A_738, %swap3A_739] : memref<1x20x256x512xf32, #tpu.memory_space<vmem>>, vector<1x1x256x128xf32>
    %swap3A_741 = vector.shape_cast %swap3A_740 : vector<1x1x256x128xf32> to vector<256x128xf32>
    %swap3A_742 = vector.shape_cast %broadcast_in_dim3A_1 : vector<256x128xf32> to vector<1x1x256x128xf32>
    tpu.vector_store %arg4[%swap3A_736, %swap3A_737, %swap3A_738, %swap3A_739], %swap3A_742 {strides = array<i32>} : memref<1x20x256x512xf32, #tpu.memory_space<vmem>>, vector<1x1x256x128xf32>,
    %mul3A_743 = arith.constant 20 : i32
    %mul3A_744 = arith.muli %arg0, %mul3A_743 : i32
    %add3A_745 = arith.constant 9 : i32
    %add3A_746 = arith.addi %mul3A_744, %add3A_745 : i32
    %get3A_747 = arith.index_cast %add3A_746 : i32 to index
    %get3A_748 = memref.load %arg1[%get3A_747] : memref<200xi32, #tpu.memory_space<smem>>
    %add3A_749 = arith.constant 10 : i32
    %add3A_750 = arith.addi %get3A_748, %add3A_749 : i32
    %jit3A_751 = arith.constant 0 : i32
    %jit3A_752 = arith.constant 18 : i32
    %max3A_753 = arith.maxsi %jit3A_751, %add3A_750 : i32
    %min3A_754 = arith.minsi %jit3A_752, %max3A_753 : i32
    %get3A_755 = arith.index_cast %add3A_746 : i32 to index
    %get3A_756 = arith.constant 1 : index
    %get3A_757 = memref.load %arg2[%get3A_755, %get3A_756] : memref<200x5xf32, #tpu.memory_space<smem>>
    %mul3A_758 = arith.constant 2.500000e-01 : f32
    %mul3A_759 = arith.mulf %get3A_757, %mul3A_758 : f32
    %floor3A_760 = math.floor %mul3A_759 : f32
    %convert_element_type3A_761 = arith.fptosi %floor3A_760 : f32 to i32
    %get3A_762 = arith.index_cast %add3A_746 : i32 to index
    %get3A_763 = arith.constant 2 : index
    %get3A_764 = memref.load %arg2[%get3A_762, %get3A_763] : memref<200x5xf32, #tpu.memory_space<smem>>
    %mul3A_765 = arith.constant 2.500000e-01 : f32
    %mul3A_766 = arith.mulf %get3A_764, %mul3A_765 : f32
    %floor3A_767 = math.floor %mul3A_766 : f32
    %convert_element_type3A_768 = arith.fptosi %floor3A_767 : f32 to i32
    %get3A_769 = arith.index_cast %add3A_746 : i32 to index
    %get3A_770 = arith.constant 3 : index
    %get3A_771 = memref.load %arg2[%get3A_769, %get3A_770] : memref<200x5xf32, #tpu.memory_space<smem>>
    %mul3A_772 = arith.constant 2.500000e-01 : f32
    %mul3A_773 = arith.mulf %get3A_771, %mul3A_772 : f32
    %round3A_774 = math.roundeven %mul3A_773 : f32
    %add3A_775 = arith.constant 1.000000e+00 : f32
    %add3A_776 = arith.addf %round3A_774, %add3A_775 : f32
    %convert_element_type3A_777 = arith.fptosi %add3A_776 : f32 to i32
    %get3A_778 = arith.index_cast %add3A_746 : i32 to index
    %get3A_779 = arith.constant 4 : index
    %get3A_780 = memref.load %arg2[%get3A_778, %get3A_779] : memref<200x5xf32, #tpu.memory_space<smem>>
    %mul3A_781 = arith.constant 2.500000e-01 : f32
    %mul3A_782 = arith.mulf %get3A_780, %mul3A_781 : f32
    %round3A_783 = math.roundeven %mul3A_782 : f32
    %add3A_784 = arith.constant 1.000000e+00 : f32
    %add3A_785 = arith.addf %round3A_783, %add3A_784 : f32
    %convert_element_type3A_786 = arith.fptosi %add3A_785 : f32 to i32
    %ge3A_787 = vector.broadcast %convert_element_type3A_768 : i32 to vector<256x1xi32>
    %ge3A_788 = arith.cmpi sge, %iota3A, %ge3A_787 : vector<256x1xi32>
    %lt3A_789 = vector.broadcast %convert_element_type3A_786 : i32 to vector<256x1xi32>
    %lt3A_790 = arith.cmpi slt, %iota3A, %lt3A_789 : vector<256x1xi32>
    %and3A_791 = arith.andi %ge3A_788, %lt3A_790 : vector<256x1xi1>
    %ne3A_792 = arith.constant 0 : i32
    %ne3A_793 = arith.cmpi ne, %get3A_748, %ne3A_792 : i32
    %and3A_794 = vector.broadcast %ne3A_793 : i1 to vector<256x1xi1>
    %and3A_795 = arith.andi %and3A_791, %and3A_794 : vector<256x1xi1>
    %ge3A_796 = vector.broadcast %convert_element_type3A_761 : i32 to vector<1x384xi32>
    %ge3A_797 = arith.cmpi sge, %iota3A_0, %ge3A_796 : vector<1x384xi32>
    %lt3A_798 = vector.broadcast %convert_element_type3A_777 : i32 to vector<1x384xi32>
    %lt3A_799 = arith.cmpi slt, %iota3A_0, %lt3A_798 : vector<1x384xi32>
    %and3A_800 = arith.andi %ge3A_797, %lt3A_799 : vector<1x384xi1>
    %and3A_801 = vector.broadcast %and3A_795 : vector<256x1xi1> to vector<256x384xi1>
    %and3A_802 = vector.broadcast %and3A_800 : vector<1x384xi1> to vector<256x384xi1>
    %and3A_803 = arith.andi %and3A_801, %and3A_802 : vector<256x384xi1>
    %get3A_804 = arith.constant 0 : index
    %get3A_805 = arith.index_cast %min3A_754 : i32 to index
    %get3A_806 = arith.constant 0 : index
    %get3A_807 = arith.constant 0 : index
    %get3A_808 = vector.load %arg3[%get3A_804, %get3A_805, %get3A_806, %get3A_807] : memref<1x19x256x512xf32, #tpu.memory_space<vmem>>, vector<1x1x256x384xf32>
    %get3A_809 = vector.shape_cast %get3A_808 : vector<1x1x256x384xf32> to vector<256x384xf32>
    %jit3A_810 = arith.constant 0.000000e+00 : f32
    %broadcast_in_dim3A_811 = vector.broadcast %jit3A_810 : f32 to vector<256x384xf32>
    %select_n3A_812 = arith.select %and3A_803, %get3A_809, %broadcast_in_dim3A_811 : vector<256x384xi1>, vector<256x384xf32>
    %swap3A_813 = arith.constant 0 : index
    %swap3A_814 = arith.constant 9 : index
    %swap3A_815 = arith.constant 0 : index
    %swap3A_816 = arith.constant 0 : index
    %swap3A_817 = vector.load %arg4[%swap3A_813, %swap3A_814, %swap3A_815, %swap3A_816] : memref<1x20x256x512xf32, #tpu.memory_space<vmem>>, vector<1x1x256x384xf32>
    %swap3A_818 = vector.shape_cast %swap3A_817 : vector<1x1x256x384xf32> to vector<256x384xf32>
    %swap3A_819 = vector.shape_cast %select_n3A_812 : vector<256x384xf32> to vector<1x1x256x384xf32>
    tpu.vector_store %arg4[%swap3A_813, %swap3A_814, %swap3A_815, %swap3A_816], %swap3A_819 {strides = array<i32>} : memref<1x20x256x512xf32, #tpu.memory_space<vmem>>, vector<1x1x256x384xf32>,
    %swap3A_820 = arith.constant 0 : index
    %swap3A_821 = arith.constant 9 : index
    %swap3A_822 = arith.constant 0 : index
    %swap3A_823 = arith.constant 384 : index
    %swap3A_824 = vector.load %arg4[%swap3A_820, %swap3A_821, %swap3A_822, %swap3A_823] : memref<1x20x256x512xf32, #tpu.memory_space<vmem>>, vector<1x1x256x128xf32>
    %swap3A_825 = vector.shape_cast %swap3A_824 : vector<1x1x256x128xf32> to vector<256x128xf32>
    %swap3A_826 = vector.shape_cast %broadcast_in_dim3A_1 : vector<256x128xf32> to vector<1x1x256x128xf32>
    tpu.vector_store %arg4[%swap3A_820, %swap3A_821, %swap3A_822, %swap3A_823], %swap3A_826 {strides = array<i32>} : memref<1x20x256x512xf32, #tpu.memory_space<vmem>>, vector<1x1x256x128xf32>,
    %mul3A_827 = arith.constant 20 : i32
    %mul3A_828 = arith.muli %arg0, %mul3A_827 : i32
    %add3A_829 = arith.constant 10 : i32
    %add3A_830 = arith.addi %mul3A_828, %add3A_829 : i32
    %get3A_831 = arith.index_cast %add3A_830 : i32 to index
    %get3A_832 = memref.load %arg1[%get3A_831] : memref<200xi32, #tpu.memory_space<smem>>
    %add3A_833 = arith.constant 10 : i32
    %add3A_834 = arith.addi %get3A_832, %add3A_833 : i32
    %jit3A_835 = arith.constant 0 : i32
    %jit3A_836 = arith.constant 18 : i32
    %max3A_837 = arith.maxsi %jit3A_835, %add3A_834 : i32
    %min3A_838 = arith.minsi %jit3A_836, %max3A_837 : i32
    %get3A_839 = arith.index_cast %add3A_830 : i32 to index
    %get3A_840 = arith.constant 1 : index
    %get3A_841 = memref.load %arg2[%get3A_839, %get3A_840] : memref<200x5xf32, #tpu.memory_space<smem>>
    %mul3A_842 = arith.constant 2.500000e-01 : f32
    %mul3A_843 = arith.mulf %get3A_841, %mul3A_842 : f32
    %floor3A_844 = math.floor %mul3A_843 : f32
    %convert_element_type3A_845 = arith.fptosi %floor3A_844 : f32 to i32
    %get3A_846 = arith.index_cast %add3A_830 : i32 to index
    %get3A_847 = arith.constant 2 : index
    %get3A_848 = memref.load %arg2[%get3A_846, %get3A_847] : memref<200x5xf32, #tpu.memory_space<smem>>
    %mul3A_849 = arith.constant 2.500000e-01 : f32
    %mul3A_850 = arith.mulf %get3A_848, %mul3A_849 : f32
    %floor3A_851 = math.floor %mul3A_850 : f32
    %convert_element_type3A_852 = arith.fptosi %floor3A_851 : f32 to i32
    %get3A_853 = arith.index_cast %add3A_830 : i32 to index
    %get3A_854 = arith.constant 3 : index
    %get3A_855 = memref.load %arg2[%get3A_853, %get3A_854] : memref<200x5xf32, #tpu.memory_space<smem>>
    %mul3A_856 = arith.constant 2.500000e-01 : f32
    %mul3A_857 = arith.mulf %get3A_855, %mul3A_856 : f32
    %round3A_858 = math.roundeven %mul3A_857 : f32
    %add3A_859 = arith.constant 1.000000e+00 : f32
    %add3A_860 = arith.addf %round3A_858, %add3A_859 : f32
    %convert_element_type3A_861 = arith.fptosi %add3A_860 : f32 to i32
    %get3A_862 = arith.index_cast %add3A_830 : i32 to index
    %get3A_863 = arith.constant 4 : index
    %get3A_864 = memref.load %arg2[%get3A_862, %get3A_863] : memref<200x5xf32, #tpu.memory_space<smem>>
    %mul3A_865 = arith.constant 2.500000e-01 : f32
    %mul3A_866 = arith.mulf %get3A_864, %mul3A_865 : f32
    %round3A_867 = math.roundeven %mul3A_866 : f32
    %add3A_868 = arith.constant 1.000000e+00 : f32
    %add3A_869 = arith.addf %round3A_867, %add3A_868 : f32
    %convert_element_type3A_870 = arith.fptosi %add3A_869 : f32 to i32
    %ge3A_871 = vector.broadcast %convert_element_type3A_852 : i32 to vector<256x1xi32>
    %ge3A_872 = arith.cmpi sge, %iota3A, %ge3A_871 : vector<256x1xi32>
    %lt3A_873 = vector.broadcast %convert_element_type3A_870 : i32 to vector<256x1xi32>
    %lt3A_874 = arith.cmpi slt, %iota3A, %lt3A_873 : vector<256x1xi32>
    %and3A_875 = arith.andi %ge3A_872, %lt3A_874 : vector<256x1xi1>
    %ne3A_876 = arith.constant 0 : i32
    %ne3A_877 = arith.cmpi ne, %get3A_832, %ne3A_876 : i32
    %and3A_878 = vector.broadcast %ne3A_877 : i1 to vector<256x1xi1>
    %and3A_879 = arith.andi %and3A_875, %and3A_878 : vector<256x1xi1>
    %ge3A_880 = vector.broadcast %convert_element_type3A_845 : i32 to vector<1x384xi32>
    %ge3A_881 = arith.cmpi sge, %iota3A_0, %ge3A_880 : vector<1x384xi32>
    %lt3A_882 = vector.broadcast %convert_element_type3A_861 : i32 to vector<1x384xi32>
    %lt3A_883 = arith.cmpi slt, %iota3A_0, %lt3A_882 : vector<1x384xi32>
    %and3A_884 = arith.andi %ge3A_881, %lt3A_883 : vector<1x384xi1>
    %and3A_885 = vector.broadcast %and3A_879 : vector<256x1xi1> to vector<256x384xi1>
    %and3A_886 = vector.broadcast %and3A_884 : vector<1x384xi1> to vector<256x384xi1>
    %and3A_887 = arith.andi %and3A_885, %and3A_886 : vector<256x384xi1>
    %get3A_888 = arith.constant 0 : index
    %get3A_889 = arith.index_cast %min3A_838 : i32 to index
    %get3A_890 = arith.constant 0 : index
    %get3A_891 = arith.constant 0 : index
    %get3A_892 = vector.load %arg3[%get3A_888, %get3A_889, %get3A_890, %get3A_891] : memref<1x19x256x512xf32, #tpu.memory_space<vmem>>, vector<1x1x256x384xf32>
    %get3A_893 = vector.shape_cast %get3A_892 : vector<1x1x256x384xf32> to vector<256x384xf32>
    %jit3A_894 = arith.constant 0.000000e+00 : f32
    %broadcast_in_dim3A_895 = vector.broadcast %jit3A_894 : f32 to vector<256x384xf32>
    %select_n3A_896 = arith.select %and3A_887, %get3A_893, %broadcast_in_dim3A_895 : vector<256x384xi1>, vector<256x384xf32>
    %swap3A_897 = arith.constant 0 : index
    %swap3A_898 = arith.constant 10 : index
    %swap3A_899 = arith.constant 0 : index
    %swap3A_900 = arith.constant 0 : index
    %swap3A_901 = vector.load %arg4[%swap3A_897, %swap3A_898, %swap3A_899, %swap3A_900] : memref<1x20x256x512xf32, #tpu.memory_space<vmem>>, vector<1x1x256x384xf32>
    %swap3A_902 = vector.shape_cast %swap3A_901 : vector<1x1x256x384xf32> to vector<256x384xf32>
    %swap3A_903 = vector.shape_cast %select_n3A_896 : vector<256x384xf32> to vector<1x1x256x384xf32>
    tpu.vector_store %arg4[%swap3A_897, %swap3A_898, %swap3A_899, %swap3A_900], %swap3A_903 {strides = array<i32>} : memref<1x20x256x512xf32, #tpu.memory_space<vmem>>, vector<1x1x256x384xf32>,
    %swap3A_904 = arith.constant 0 : index
    %swap3A_905 = arith.constant 10 : index
    %swap3A_906 = arith.constant 0 : index
    %swap3A_907 = arith.constant 384 : index
    %swap3A_908 = vector.load %arg4[%swap3A_904, %swap3A_905, %swap3A_906, %swap3A_907] : memref<1x20x256x512xf32, #tpu.memory_space<vmem>>, vector<1x1x256x128xf32>
    %swap3A_909 = vector.shape_cast %swap3A_908 : vector<1x1x256x128xf32> to vector<256x128xf32>
    %swap3A_910 = vector.shape_cast %broadcast_in_dim3A_1 : vector<256x128xf32> to vector<1x1x256x128xf32>
    tpu.vector_store %arg4[%swap3A_904, %swap3A_905, %swap3A_906, %swap3A_907], %swap3A_910 {strides = array<i32>} : memref<1x20x256x512xf32, #tpu.memory_space<vmem>>, vector<1x1x256x128xf32>,
    %mul3A_911 = arith.constant 20 : i32
    %mul3A_912 = arith.muli %arg0, %mul3A_911 : i32
    %add3A_913 = arith.constant 11 : i32
    %add3A_914 = arith.addi %mul3A_912, %add3A_913 : i32
    %get3A_915 = arith.index_cast %add3A_914 : i32 to index
    %get3A_916 = memref.load %arg1[%get3A_915] : memref<200xi32, #tpu.memory_space<smem>>
    %add3A_917 = arith.constant 10 : i32
    %add3A_918 = arith.addi %get3A_916, %add3A_917 : i32
    %jit3A_919 = arith.constant 0 : i32
    %jit3A_920 = arith.constant 18 : i32
    %max3A_921 = arith.maxsi %jit3A_919, %add3A_918 : i32
    %min3A_922 = arith.minsi %jit3A_920, %max3A_921 : i32
    %get3A_923 = arith.index_cast %add3A_914 : i32 to index
    %get3A_924 = arith.constant 1 : index
    %get3A_925 = memref.load %arg2[%get3A_923, %get3A_924] : memref<200x5xf32, #tpu.memory_space<smem>>
    %mul3A_926 = arith.constant 2.500000e-01 : f32
    %mul3A_927 = arith.mulf %get3A_925, %mul3A_926 : f32
    %floor3A_928 = math.floor %mul3A_927 : f32
    %convert_element_type3A_929 = arith.fptosi %floor3A_928 : f32 to i32
    %get3A_930 = arith.index_cast %add3A_914 : i32 to index
    %get3A_931 = arith.constant 2 : index
    %get3A_932 = memref.load %arg2[%get3A_930, %get3A_931] : memref<200x5xf32, #tpu.memory_space<smem>>
    %mul3A_933 = arith.constant 2.500000e-01 : f32
    %mul3A_934 = arith.mulf %get3A_932, %mul3A_933 : f32
    %floor3A_935 = math.floor %mul3A_934 : f32
    %convert_element_type3A_936 = arith.fptosi %floor3A_935 : f32 to i32
    %get3A_937 = arith.index_cast %add3A_914 : i32 to index
    %get3A_938 = arith.constant 3 : index
    %get3A_939 = memref.load %arg2[%get3A_937, %get3A_938] : memref<200x5xf32, #tpu.memory_space<smem>>
    %mul3A_940 = arith.constant 2.500000e-01 : f32
    %mul3A_941 = arith.mulf %get3A_939, %mul3A_940 : f32
    %round3A_942 = math.roundeven %mul3A_941 : f32
    %add3A_943 = arith.constant 1.000000e+00 : f32
    %add3A_944 = arith.addf %round3A_942, %add3A_943 : f32
    %convert_element_type3A_945 = arith.fptosi %add3A_944 : f32 to i32
    %get3A_946 = arith.index_cast %add3A_914 : i32 to index
    %get3A_947 = arith.constant 4 : index
    %get3A_948 = memref.load %arg2[%get3A_946, %get3A_947] : memref<200x5xf32, #tpu.memory_space<smem>>
    %mul3A_949 = arith.constant 2.500000e-01 : f32
    %mul3A_950 = arith.mulf %get3A_948, %mul3A_949 : f32
    %round3A_951 = math.roundeven %mul3A_950 : f32
    %add3A_952 = arith.constant 1.000000e+00 : f32
    %add3A_953 = arith.addf %round3A_951, %add3A_952 : f32
    %convert_element_type3A_954 = arith.fptosi %add3A_953 : f32 to i32
    %ge3A_955 = vector.broadcast %convert_element_type3A_936 : i32 to vector<256x1xi32>
    %ge3A_956 = arith.cmpi sge, %iota3A, %ge3A_955 : vector<256x1xi32>
    %lt3A_957 = vector.broadcast %convert_element_type3A_954 : i32 to vector<256x1xi32>
    %lt3A_958 = arith.cmpi slt, %iota3A, %lt3A_957 : vector<256x1xi32>
    %and3A_959 = arith.andi %ge3A_956, %lt3A_958 : vector<256x1xi1>
    %ne3A_960 = arith.constant 0 : i32
    %ne3A_961 = arith.cmpi ne, %get3A_916, %ne3A_960 : i32
    %and3A_962 = vector.broadcast %ne3A_961 : i1 to vector<256x1xi1>
    %and3A_963 = arith.andi %and3A_959, %and3A_962 : vector<256x1xi1>
    %ge3A_964 = vector.broadcast %convert_element_type3A_929 : i32 to vector<1x384xi32>
    %ge3A_965 = arith.cmpi sge, %iota3A_0, %ge3A_964 : vector<1x384xi32>
    %lt3A_966 = vector.broadcast %convert_element_type3A_945 : i32 to vector<1x384xi32>
    %lt3A_967 = arith.cmpi slt, %iota3A_0, %lt3A_966 : vector<1x384xi32>
    %and3A_968 = arith.andi %ge3A_965, %lt3A_967 : vector<1x384xi1>
    %and3A_969 = vector.broadcast %and3A_963 : vector<256x1xi1> to vector<256x384xi1>
    %and3A_970 = vector.broadcast %and3A_968 : vector<1x384xi1> to vector<256x384xi1>
    %and3A_971 = arith.andi %and3A_969, %and3A_970 : vector<256x384xi1>
    %get3A_972 = arith.constant 0 : index
    %get3A_973 = arith.index_cast %min3A_922 : i32 to index
    %get3A_974 = arith.constant 0 : index
    %get3A_975 = arith.constant 0 : index
    %get3A_976 = vector.load %arg3[%get3A_972, %get3A_973, %get3A_974, %get3A_975] : memref<1x19x256x512xf32, #tpu.memory_space<vmem>>, vector<1x1x256x384xf32>
    %get3A_977 = vector.shape_cast %get3A_976 : vector<1x1x256x384xf32> to vector<256x384xf32>
    %jit3A_978 = arith.constant 0.000000e+00 : f32
    %broadcast_in_dim3A_979 = vector.broadcast %jit3A_978 : f32 to vector<256x384xf32>
    %select_n3A_980 = arith.select %and3A_971, %get3A_977, %broadcast_in_dim3A_979 : vector<256x384xi1>, vector<256x384xf32>
    %swap3A_981 = arith.constant 0 : index
    %swap3A_982 = arith.constant 11 : index
    %swap3A_983 = arith.constant 0 : index
    %swap3A_984 = arith.constant 0 : index
    %swap3A_985 = vector.load %arg4[%swap3A_981, %swap3A_982, %swap3A_983, %swap3A_984] : memref<1x20x256x512xf32, #tpu.memory_space<vmem>>, vector<1x1x256x384xf32>
    %swap3A_986 = vector.shape_cast %swap3A_985 : vector<1x1x256x384xf32> to vector<256x384xf32>
    %swap3A_987 = vector.shape_cast %select_n3A_980 : vector<256x384xf32> to vector<1x1x256x384xf32>
    tpu.vector_store %arg4[%swap3A_981, %swap3A_982, %swap3A_983, %swap3A_984], %swap3A_987 {strides = array<i32>} : memref<1x20x256x512xf32, #tpu.memory_space<vmem>>, vector<1x1x256x384xf32>,
    %swap3A_988 = arith.constant 0 : index
    %swap3A_989 = arith.constant 11 : index
    %swap3A_990 = arith.constant 0 : index
    %swap3A_991 = arith.constant 384 : index
    %swap3A_992 = vector.load %arg4[%swap3A_988, %swap3A_989, %swap3A_990, %swap3A_991] : memref<1x20x256x512xf32, #tpu.memory_space<vmem>>, vector<1x1x256x128xf32>
    %swap3A_993 = vector.shape_cast %swap3A_992 : vector<1x1x256x128xf32> to vector<256x128xf32>
    %swap3A_994 = vector.shape_cast %broadcast_in_dim3A_1 : vector<256x128xf32> to vector<1x1x256x128xf32>
    tpu.vector_store %arg4[%swap3A_988, %swap3A_989, %swap3A_990, %swap3A_991], %swap3A_994 {strides = array<i32>} : memref<1x20x256x512xf32, #tpu.memory_space<vmem>>, vector<1x1x256x128xf32>,
    %mul3A_995 = arith.constant 20 : i32
    %mul3A_996 = arith.muli %arg0, %mul3A_995 : i32
    %add3A_997 = arith.constant 12 : i32
    %add3A_998 = arith.addi %mul3A_996, %add3A_997 : i32
    %get3A_999 = arith.index_cast %add3A_998 : i32 to index
    %get3A_1000 = memref.load %arg1[%get3A_999] : memref<200xi32, #tpu.memory_space<smem>>
    %add3A_1001 = arith.constant 10 : i32
    %add3A_1002 = arith.addi %get3A_1000, %add3A_1001 : i32
    %jit3A_1003 = arith.constant 0 : i32
    %jit3A_1004 = arith.constant 18 : i32
    %max3A_1005 = arith.maxsi %jit3A_1003, %add3A_1002 : i32
    %min3A_1006 = arith.minsi %jit3A_1004, %max3A_1005 : i32
    %get3A_1007 = arith.index_cast %add3A_998 : i32 to index
    %get3A_1008 = arith.constant 1 : index
    %get3A_1009 = memref.load %arg2[%get3A_1007, %get3A_1008] : memref<200x5xf32, #tpu.memory_space<smem>>
    %mul3A_1010 = arith.constant 2.500000e-01 : f32
    %mul3A_1011 = arith.mulf %get3A_1009, %mul3A_1010 : f32
    %floor3A_1012 = math.floor %mul3A_1011 : f32
    %convert_element_type3A_1013 = arith.fptosi %floor3A_1012 : f32 to i32
    %get3A_1014 = arith.index_cast %add3A_998 : i32 to index
    %get3A_1015 = arith.constant 2 : index
    %get3A_1016 = memref.load %arg2[%get3A_1014, %get3A_1015] : memref<200x5xf32, #tpu.memory_space<smem>>
    %mul3A_1017 = arith.constant 2.500000e-01 : f32
    %mul3A_1018 = arith.mulf %get3A_1016, %mul3A_1017 : f32
    %floor3A_1019 = math.floor %mul3A_1018 : f32
    %convert_element_type3A_1020 = arith.fptosi %floor3A_1019 : f32 to i32
    %get3A_1021 = arith.index_cast %add3A_998 : i32 to index
    %get3A_1022 = arith.constant 3 : index
    %get3A_1023 = memref.load %arg2[%get3A_1021, %get3A_1022] : memref<200x5xf32, #tpu.memory_space<smem>>
    %mul3A_1024 = arith.constant 2.500000e-01 : f32
    %mul3A_1025 = arith.mulf %get3A_1023, %mul3A_1024 : f32
    %round3A_1026 = math.roundeven %mul3A_1025 : f32
    %add3A_1027 = arith.constant 1.000000e+00 : f32
    %add3A_1028 = arith.addf %round3A_1026, %add3A_1027 : f32
    %convert_element_type3A_1029 = arith.fptosi %add3A_1028 : f32 to i32
    %get3A_1030 = arith.index_cast %add3A_998 : i32 to index
    %get3A_1031 = arith.constant 4 : index
    %get3A_1032 = memref.load %arg2[%get3A_1030, %get3A_1031] : memref<200x5xf32, #tpu.memory_space<smem>>
    %mul3A_1033 = arith.constant 2.500000e-01 : f32
    %mul3A_1034 = arith.mulf %get3A_1032, %mul3A_1033 : f32
    %round3A_1035 = math.roundeven %mul3A_1034 : f32
    %add3A_1036 = arith.constant 1.000000e+00 : f32
    %add3A_1037 = arith.addf %round3A_1035, %add3A_1036 : f32
    %convert_element_type3A_1038 = arith.fptosi %add3A_1037 : f32 to i32
    %ge3A_1039 = vector.broadcast %convert_element_type3A_1020 : i32 to vector<256x1xi32>
    %ge3A_1040 = arith.cmpi sge, %iota3A, %ge3A_1039 : vector<256x1xi32>
    %lt3A_1041 = vector.broadcast %convert_element_type3A_1038 : i32 to vector<256x1xi32>
    %lt3A_1042 = arith.cmpi slt, %iota3A, %lt3A_1041 : vector<256x1xi32>
    %and3A_1043 = arith.andi %ge3A_1040, %lt3A_1042 : vector<256x1xi1>
    %ne3A_1044 = arith.constant 0 : i32
    %ne3A_1045 = arith.cmpi ne, %get3A_1000, %ne3A_1044 : i32
    %and3A_1046 = vector.broadcast %ne3A_1045 : i1 to vector<256x1xi1>
    %and3A_1047 = arith.andi %and3A_1043, %and3A_1046 : vector<256x1xi1>
    %ge3A_1048 = vector.broadcast %convert_element_type3A_1013 : i32 to vector<1x384xi32>
    %ge3A_1049 = arith.cmpi sge, %iota3A_0, %ge3A_1048 : vector<1x384xi32>
    %lt3A_1050 = vector.broadcast %convert_element_type3A_1029 : i32 to vector<1x384xi32>
    %lt3A_1051 = arith.cmpi slt, %iota3A_0, %lt3A_1050 : vector<1x384xi32>
    %and3A_1052 = arith.andi %ge3A_1049, %lt3A_1051 : vector<1x384xi1>
    %and3A_1053 = vector.broadcast %and3A_1047 : vector<256x1xi1> to vector<256x384xi1>
    %and3A_1054 = vector.broadcast %and3A_1052 : vector<1x384xi1> to vector<256x384xi1>
    %and3A_1055 = arith.andi %and3A_1053, %and3A_1054 : vector<256x384xi1>
    %get3A_1056 = arith.constant 0 : index
    %get3A_1057 = arith.index_cast %min3A_1006 : i32 to index
    %get3A_1058 = arith.constant 0 : index
    %get3A_1059 = arith.constant 0 : index
    %get3A_1060 = vector.load %arg3[%get3A_1056, %get3A_1057, %get3A_1058, %get3A_1059] : memref<1x19x256x512xf32, #tpu.memory_space<vmem>>, vector<1x1x256x384xf32>
    %get3A_1061 = vector.shape_cast %get3A_1060 : vector<1x1x256x384xf32> to vector<256x384xf32>
    %jit3A_1062 = arith.constant 0.000000e+00 : f32
    %broadcast_in_dim3A_1063 = vector.broadcast %jit3A_1062 : f32 to vector<256x384xf32>
    %select_n3A_1064 = arith.select %and3A_1055, %get3A_1061, %broadcast_in_dim3A_1063 : vector<256x384xi1>, vector<256x384xf32>
    %swap3A_1065 = arith.constant 0 : index
    %swap3A_1066 = arith.constant 12 : index
    %swap3A_1067 = arith.constant 0 : index
    %swap3A_1068 = arith.constant 0 : index
    %swap3A_1069 = vector.load %arg4[%swap3A_1065, %swap3A_1066, %swap3A_1067, %swap3A_1068] : memref<1x20x256x512xf32, #tpu.memory_space<vmem>>, vector<1x1x256x384xf32>
    %swap3A_1070 = vector.shape_cast %swap3A_1069 : vector<1x1x256x384xf32> to vector<256x384xf32>
    %swap3A_1071 = vector.shape_cast %select_n3A_1064 : vector<256x384xf32> to vector<1x1x256x384xf32>
    tpu.vector_store %arg4[%swap3A_1065, %swap3A_1066, %swap3A_1067, %swap3A_1068], %swap3A_1071 {strides = array<i32>} : memref<1x20x256x512xf32, #tpu.memory_space<vmem>>, vector<1x1x256x384xf32>,
    %swap3A_1072 = arith.constant 0 : index
    %swap3A_1073 = arith.constant 12 : index
    %swap3A_1074 = arith.constant 0 : index
    %swap3A_1075 = arith.constant 384 : index
    %swap3A_1076 = vector.load %arg4[%swap3A_1072, %swap3A_1073, %swap3A_1074, %swap3A_1075] : memref<1x20x256x512xf32, #tpu.memory_space<vmem>>, vector<1x1x256x128xf32>
    %swap3A_1077 = vector.shape_cast %swap3A_1076 : vector<1x1x256x128xf32> to vector<256x128xf32>
    %swap3A_1078 = vector.shape_cast %broadcast_in_dim3A_1 : vector<256x128xf32> to vector<1x1x256x128xf32>
    tpu.vector_store %arg4[%swap3A_1072, %swap3A_1073, %swap3A_1074, %swap3A_1075], %swap3A_1078 {strides = array<i32>} : memref<1x20x256x512xf32, #tpu.memory_space<vmem>>, vector<1x1x256x128xf32>,
    %mul3A_1079 = arith.constant 20 : i32
    %mul3A_1080 = arith.muli %arg0, %mul3A_1079 : i32
    %add3A_1081 = arith.constant 13 : i32
    %add3A_1082 = arith.addi %mul3A_1080, %add3A_1081 : i32
    %get3A_1083 = arith.index_cast %add3A_1082 : i32 to index
    %get3A_1084 = memref.load %arg1[%get3A_1083] : memref<200xi32, #tpu.memory_space<smem>>
    %add3A_1085 = arith.constant 10 : i32
    %add3A_1086 = arith.addi %get3A_1084, %add3A_1085 : i32
    %jit3A_1087 = arith.constant 0 : i32
    %jit3A_1088 = arith.constant 18 : i32
    %max3A_1089 = arith.maxsi %jit3A_1087, %add3A_1086 : i32
    %min3A_1090 = arith.minsi %jit3A_1088, %max3A_1089 : i32
    %get3A_1091 = arith.index_cast %add3A_1082 : i32 to index
    %get3A_1092 = arith.constant 1 : index
    %get3A_1093 = memref.load %arg2[%get3A_1091, %get3A_1092] : memref<200x5xf32, #tpu.memory_space<smem>>
    %mul3A_1094 = arith.constant 2.500000e-01 : f32
    %mul3A_1095 = arith.mulf %get3A_1093, %mul3A_1094 : f32
    %floor3A_1096 = math.floor %mul3A_1095 : f32
    %convert_element_type3A_1097 = arith.fptosi %floor3A_1096 : f32 to i32
    %get3A_1098 = arith.index_cast %add3A_1082 : i32 to index
    %get3A_1099 = arith.constant 2 : index
    %get3A_1100 = memref.load %arg2[%get3A_1098, %get3A_1099] : memref<200x5xf32, #tpu.memory_space<smem>>
    %mul3A_1101 = arith.constant 2.500000e-01 : f32
    %mul3A_1102 = arith.mulf %get3A_1100, %mul3A_1101 : f32
    %floor3A_1103 = math.floor %mul3A_1102 : f32
    %convert_element_type3A_1104 = arith.fptosi %floor3A_1103 : f32 to i32
    %get3A_1105 = arith.index_cast %add3A_1082 : i32 to index
    %get3A_1106 = arith.constant 3 : index
    %get3A_1107 = memref.load %arg2[%get3A_1105, %get3A_1106] : memref<200x5xf32, #tpu.memory_space<smem>>
    %mul3A_1108 = arith.constant 2.500000e-01 : f32
    %mul3A_1109 = arith.mulf %get3A_1107, %mul3A_1108 : f32
    %round3A_1110 = math.roundeven %mul3A_1109 : f32
    %add3A_1111 = arith.constant 1.000000e+00 : f32
    %add3A_1112 = arith.addf %round3A_1110, %add3A_1111 : f32
    %convert_element_type3A_1113 = arith.fptosi %add3A_1112 : f32 to i32
    %get3A_1114 = arith.index_cast %add3A_1082 : i32 to index
    %get3A_1115 = arith.constant 4 : index
    %get3A_1116 = memref.load %arg2[%get3A_1114, %get3A_1115] : memref<200x5xf32, #tpu.memory_space<smem>>
    %mul3A_1117 = arith.constant 2.500000e-01 : f32
    %mul3A_1118 = arith.mulf %get3A_1116, %mul3A_1117 : f32
    %round3A_1119 = math.roundeven %mul3A_1118 : f32
    %add3A_1120 = arith.constant 1.000000e+00 : f32
    %add3A_1121 = arith.addf %round3A_1119, %add3A_1120 : f32
    %convert_element_type3A_1122 = arith.fptosi %add3A_1121 : f32 to i32
    %ge3A_1123 = vector.broadcast %convert_element_type3A_1104 : i32 to vector<256x1xi32>
    %ge3A_1124 = arith.cmpi sge, %iota3A, %ge3A_1123 : vector<256x1xi32>
    %lt3A_1125 = vector.broadcast %convert_element_type3A_1122 : i32 to vector<256x1xi32>
    %lt3A_1126 = arith.cmpi slt, %iota3A, %lt3A_1125 : vector<256x1xi32>
    %and3A_1127 = arith.andi %ge3A_1124, %lt3A_1126 : vector<256x1xi1>
    %ne3A_1128 = arith.constant 0 : i32
    %ne3A_1129 = arith.cmpi ne, %get3A_1084, %ne3A_1128 : i32
    %and3A_1130 = vector.broadcast %ne3A_1129 : i1 to vector<256x1xi1>
    %and3A_1131 = arith.andi %and3A_1127, %and3A_1130 : vector<256x1xi1>
    %ge3A_1132 = vector.broadcast %convert_element_type3A_1097 : i32 to vector<1x384xi32>
    %ge3A_1133 = arith.cmpi sge, %iota3A_0, %ge3A_1132 : vector<1x384xi32>
    %lt3A_1134 = vector.broadcast %convert_element_type3A_1113 : i32 to vector<1x384xi32>
    %lt3A_1135 = arith.cmpi slt, %iota3A_0, %lt3A_1134 : vector<1x384xi32>
    %and3A_1136 = arith.andi %ge3A_1133, %lt3A_1135 : vector<1x384xi1>
    %and3A_1137 = vector.broadcast %and3A_1131 : vector<256x1xi1> to vector<256x384xi1>
    %and3A_1138 = vector.broadcast %and3A_1136 : vector<1x384xi1> to vector<256x384xi1>
    %and3A_1139 = arith.andi %and3A_1137, %and3A_1138 : vector<256x384xi1>
    %get3A_1140 = arith.constant 0 : index
    %get3A_1141 = arith.index_cast %min3A_1090 : i32 to index
    %get3A_1142 = arith.constant 0 : index
    %get3A_1143 = arith.constant 0 : index
    %get3A_1144 = vector.load %arg3[%get3A_1140, %get3A_1141, %get3A_1142, %get3A_1143] : memref<1x19x256x512xf32, #tpu.memory_space<vmem>>, vector<1x1x256x384xf32>
    %get3A_1145 = vector.shape_cast %get3A_1144 : vector<1x1x256x384xf32> to vector<256x384xf32>
    %jit3A_1146 = arith.constant 0.000000e+00 : f32
    %broadcast_in_dim3A_1147 = vector.broadcast %jit3A_1146 : f32 to vector<256x384xf32>
    %select_n3A_1148 = arith.select %and3A_1139, %get3A_1145, %broadcast_in_dim3A_1147 : vector<256x384xi1>, vector<256x384xf32>
    %swap3A_1149 = arith.constant 0 : index
    %swap3A_1150 = arith.constant 13 : index
    %swap3A_1151 = arith.constant 0 : index
    %swap3A_1152 = arith.constant 0 : index
    %swap3A_1153 = vector.load %arg4[%swap3A_1149, %swap3A_1150, %swap3A_1151, %swap3A_1152] : memref<1x20x256x512xf32, #tpu.memory_space<vmem>>, vector<1x1x256x384xf32>
    %swap3A_1154 = vector.shape_cast %swap3A_1153 : vector<1x1x256x384xf32> to vector<256x384xf32>
    %swap3A_1155 = vector.shape_cast %select_n3A_1148 : vector<256x384xf32> to vector<1x1x256x384xf32>
    tpu.vector_store %arg4[%swap3A_1149, %swap3A_1150, %swap3A_1151, %swap3A_1152], %swap3A_1155 {strides = array<i32>} : memref<1x20x256x512xf32, #tpu.memory_space<vmem>>, vector<1x1x256x384xf32>,
    %swap3A_1156 = arith.constant 0 : index
    %swap3A_1157 = arith.constant 13 : index
    %swap3A_1158 = arith.constant 0 : index
    %swap3A_1159 = arith.constant 384 : index
    %swap3A_1160 = vector.load %arg4[%swap3A_1156, %swap3A_1157, %swap3A_1158, %swap3A_1159] : memref<1x20x256x512xf32, #tpu.memory_space<vmem>>, vector<1x1x256x128xf32>
    %swap3A_1161 = vector.shape_cast %swap3A_1160 : vector<1x1x256x128xf32> to vector<256x128xf32>
    %swap3A_1162 = vector.shape_cast %broadcast_in_dim3A_1 : vector<256x128xf32> to vector<1x1x256x128xf32>
    tpu.vector_store %arg4[%swap3A_1156, %swap3A_1157, %swap3A_1158, %swap3A_1159], %swap3A_1162 {strides = array<i32>} : memref<1x20x256x512xf32, #tpu.memory_space<vmem>>, vector<1x1x256x128xf32>,
    %mul3A_1163 = arith.constant 20 : i32
    %mul3A_1164 = arith.muli %arg0, %mul3A_1163 : i32
    %add3A_1165 = arith.constant 14 : i32
    %add3A_1166 = arith.addi %mul3A_1164, %add3A_1165 : i32
    %get3A_1167 = arith.index_cast %add3A_1166 : i32 to index
    %get3A_1168 = memref.load %arg1[%get3A_1167] : memref<200xi32, #tpu.memory_space<smem>>
    %add3A_1169 = arith.constant 10 : i32
    %add3A_1170 = arith.addi %get3A_1168, %add3A_1169 : i32
    %jit3A_1171 = arith.constant 0 : i32
    %jit3A_1172 = arith.constant 18 : i32
    %max3A_1173 = arith.maxsi %jit3A_1171, %add3A_1170 : i32
    %min3A_1174 = arith.minsi %jit3A_1172, %max3A_1173 : i32
    %get3A_1175 = arith.index_cast %add3A_1166 : i32 to index
    %get3A_1176 = arith.constant 1 : index
    %get3A_1177 = memref.load %arg2[%get3A_1175, %get3A_1176] : memref<200x5xf32, #tpu.memory_space<smem>>
    %mul3A_1178 = arith.constant 2.500000e-01 : f32
    %mul3A_1179 = arith.mulf %get3A_1177, %mul3A_1178 : f32
    %floor3A_1180 = math.floor %mul3A_1179 : f32
    %convert_element_type3A_1181 = arith.fptosi %floor3A_1180 : f32 to i32
    %get3A_1182 = arith.index_cast %add3A_1166 : i32 to index
    %get3A_1183 = arith.constant 2 : index
    %get3A_1184 = memref.load %arg2[%get3A_1182, %get3A_1183] : memref<200x5xf32, #tpu.memory_space<smem>>
    %mul3A_1185 = arith.constant 2.500000e-01 : f32
    %mul3A_1186 = arith.mulf %get3A_1184, %mul3A_1185 : f32
    %floor3A_1187 = math.floor %mul3A_1186 : f32
    %convert_element_type3A_1188 = arith.fptosi %floor3A_1187 : f32 to i32
    %get3A_1189 = arith.index_cast %add3A_1166 : i32 to index
    %get3A_1190 = arith.constant 3 : index
    %get3A_1191 = memref.load %arg2[%get3A_1189, %get3A_1190] : memref<200x5xf32, #tpu.memory_space<smem>>
    %mul3A_1192 = arith.constant 2.500000e-01 : f32
    %mul3A_1193 = arith.mulf %get3A_1191, %mul3A_1192 : f32
    %round3A_1194 = math.roundeven %mul3A_1193 : f32
    %add3A_1195 = arith.constant 1.000000e+00 : f32
    %add3A_1196 = arith.addf %round3A_1194, %add3A_1195 : f32
    %convert_element_type3A_1197 = arith.fptosi %add3A_1196 : f32 to i32
    %get3A_1198 = arith.index_cast %add3A_1166 : i32 to index
    %get3A_1199 = arith.constant 4 : index
    %get3A_1200 = memref.load %arg2[%get3A_1198, %get3A_1199] : memref<200x5xf32, #tpu.memory_space<smem>>
    %mul3A_1201 = arith.constant 2.500000e-01 : f32
    %mul3A_1202 = arith.mulf %get3A_1200, %mul3A_1201 : f32
    %round3A_1203 = math.roundeven %mul3A_1202 : f32
    %add3A_1204 = arith.constant 1.000000e+00 : f32
    %add3A_1205 = arith.addf %round3A_1203, %add3A_1204 : f32
    %convert_element_type3A_1206 = arith.fptosi %add3A_1205 : f32 to i32
    %ge3A_1207 = vector.broadcast %convert_element_type3A_1188 : i32 to vector<256x1xi32>
    %ge3A_1208 = arith.cmpi sge, %iota3A, %ge3A_1207 : vector<256x1xi32>
    %lt3A_1209 = vector.broadcast %convert_element_type3A_1206 : i32 to vector<256x1xi32>
    %lt3A_1210 = arith.cmpi slt, %iota3A, %lt3A_1209 : vector<256x1xi32>
    %and3A_1211 = arith.andi %ge3A_1208, %lt3A_1210 : vector<256x1xi1>
    %ne3A_1212 = arith.constant 0 : i32
    %ne3A_1213 = arith.cmpi ne, %get3A_1168, %ne3A_1212 : i32
    %and3A_1214 = vector.broadcast %ne3A_1213 : i1 to vector<256x1xi1>
    %and3A_1215 = arith.andi %and3A_1211, %and3A_1214 : vector<256x1xi1>
    %ge3A_1216 = vector.broadcast %convert_element_type3A_1181 : i32 to vector<1x384xi32>
    %ge3A_1217 = arith.cmpi sge, %iota3A_0, %ge3A_1216 : vector<1x384xi32>
    %lt3A_1218 = vector.broadcast %convert_element_type3A_1197 : i32 to vector<1x384xi32>
    %lt3A_1219 = arith.cmpi slt, %iota3A_0, %lt3A_1218 : vector<1x384xi32>
    %and3A_1220 = arith.andi %ge3A_1217, %lt3A_1219 : vector<1x384xi1>
    %and3A_1221 = vector.broadcast %and3A_1215 : vector<256x1xi1> to vector<256x384xi1>
    %and3A_1222 = vector.broadcast %and3A_1220 : vector<1x384xi1> to vector<256x384xi1>
    %and3A_1223 = arith.andi %and3A_1221, %and3A_1222 : vector<256x384xi1>
    %get3A_1224 = arith.constant 0 : index
    %get3A_1225 = arith.index_cast %min3A_1174 : i32 to index
    %get3A_1226 = arith.constant 0 : index
    %get3A_1227 = arith.constant 0 : index
    %get3A_1228 = vector.load %arg3[%get3A_1224, %get3A_1225, %get3A_1226, %get3A_1227] : memref<1x19x256x512xf32, #tpu.memory_space<vmem>>, vector<1x1x256x384xf32>
    %get3A_1229 = vector.shape_cast %get3A_1228 : vector<1x1x256x384xf32> to vector<256x384xf32>
    %jit3A_1230 = arith.constant 0.000000e+00 : f32
    %broadcast_in_dim3A_1231 = vector.broadcast %jit3A_1230 : f32 to vector<256x384xf32>
    %select_n3A_1232 = arith.select %and3A_1223, %get3A_1229, %broadcast_in_dim3A_1231 : vector<256x384xi1>, vector<256x384xf32>
    %swap3A_1233 = arith.constant 0 : index
    %swap3A_1234 = arith.constant 14 : index
    %swap3A_1235 = arith.constant 0 : index
    %swap3A_1236 = arith.constant 0 : index
    %swap3A_1237 = vector.load %arg4[%swap3A_1233, %swap3A_1234, %swap3A_1235, %swap3A_1236] : memref<1x20x256x512xf32, #tpu.memory_space<vmem>>, vector<1x1x256x384xf32>
    %swap3A_1238 = vector.shape_cast %swap3A_1237 : vector<1x1x256x384xf32> to vector<256x384xf32>
    %swap3A_1239 = vector.shape_cast %select_n3A_1232 : vector<256x384xf32> to vector<1x1x256x384xf32>
    tpu.vector_store %arg4[%swap3A_1233, %swap3A_1234, %swap3A_1235, %swap3A_1236], %swap3A_1239 {strides = array<i32>} : memref<1x20x256x512xf32, #tpu.memory_space<vmem>>, vector<1x1x256x384xf32>,
    %swap3A_1240 = arith.constant 0 : index
    %swap3A_1241 = arith.constant 14 : index
    %swap3A_1242 = arith.constant 0 : index
    %swap3A_1243 = arith.constant 384 : index
    %swap3A_1244 = vector.load %arg4[%swap3A_1240, %swap3A_1241, %swap3A_1242, %swap3A_1243] : memref<1x20x256x512xf32, #tpu.memory_space<vmem>>, vector<1x1x256x128xf32>
    %swap3A_1245 = vector.shape_cast %swap3A_1244 : vector<1x1x256x128xf32> to vector<256x128xf32>
    %swap3A_1246 = vector.shape_cast %broadcast_in_dim3A_1 : vector<256x128xf32> to vector<1x1x256x128xf32>
    tpu.vector_store %arg4[%swap3A_1240, %swap3A_1241, %swap3A_1242, %swap3A_1243], %swap3A_1246 {strides = array<i32>} : memref<1x20x256x512xf32, #tpu.memory_space<vmem>>, vector<1x1x256x128xf32>,
    %mul3A_1247 = arith.constant 20 : i32
    %mul3A_1248 = arith.muli %arg0, %mul3A_1247 : i32
    %add3A_1249 = arith.constant 15 : i32
    %add3A_1250 = arith.addi %mul3A_1248, %add3A_1249 : i32
    %get3A_1251 = arith.index_cast %add3A_1250 : i32 to index
    %get3A_1252 = memref.load %arg1[%get3A_1251] : memref<200xi32, #tpu.memory_space<smem>>
    %add3A_1253 = arith.constant 10 : i32
    %add3A_1254 = arith.addi %get3A_1252, %add3A_1253 : i32
    %jit3A_1255 = arith.constant 0 : i32
    %jit3A_1256 = arith.constant 18 : i32
    %max3A_1257 = arith.maxsi %jit3A_1255, %add3A_1254 : i32
    %min3A_1258 = arith.minsi %jit3A_1256, %max3A_1257 : i32
    %get3A_1259 = arith.index_cast %add3A_1250 : i32 to index
    %get3A_1260 = arith.constant 1 : index
    %get3A_1261 = memref.load %arg2[%get3A_1259, %get3A_1260] : memref<200x5xf32, #tpu.memory_space<smem>>
    %mul3A_1262 = arith.constant 2.500000e-01 : f32
    %mul3A_1263 = arith.mulf %get3A_1261, %mul3A_1262 : f32
    %floor3A_1264 = math.floor %mul3A_1263 : f32
    %convert_element_type3A_1265 = arith.fptosi %floor3A_1264 : f32 to i32
    %get3A_1266 = arith.index_cast %add3A_1250 : i32 to index
    %get3A_1267 = arith.constant 2 : index
    %get3A_1268 = memref.load %arg2[%get3A_1266, %get3A_1267] : memref<200x5xf32, #tpu.memory_space<smem>>
    %mul3A_1269 = arith.constant 2.500000e-01 : f32
    %mul3A_1270 = arith.mulf %get3A_1268, %mul3A_1269 : f32
    %floor3A_1271 = math.floor %mul3A_1270 : f32
    %convert_element_type3A_1272 = arith.fptosi %floor3A_1271 : f32 to i32
    %get3A_1273 = arith.index_cast %add3A_1250 : i32 to index
    %get3A_1274 = arith.constant 3 : index
    %get3A_1275 = memref.load %arg2[%get3A_1273, %get3A_1274] : memref<200x5xf32, #tpu.memory_space<smem>>
    %mul3A_1276 = arith.constant 2.500000e-01 : f32
    %mul3A_1277 = arith.mulf %get3A_1275, %mul3A_1276 : f32
    %round3A_1278 = math.roundeven %mul3A_1277 : f32
    %add3A_1279 = arith.constant 1.000000e+00 : f32
    %add3A_1280 = arith.addf %round3A_1278, %add3A_1279 : f32
    %convert_element_type3A_1281 = arith.fptosi %add3A_1280 : f32 to i32
    %get3A_1282 = arith.index_cast %add3A_1250 : i32 to index
    %get3A_1283 = arith.constant 4 : index
    %get3A_1284 = memref.load %arg2[%get3A_1282, %get3A_1283] : memref<200x5xf32, #tpu.memory_space<smem>>
    %mul3A_1285 = arith.constant 2.500000e-01 : f32
    %mul3A_1286 = arith.mulf %get3A_1284, %mul3A_1285 : f32
    %round3A_1287 = math.roundeven %mul3A_1286 : f32
    %add3A_1288 = arith.constant 1.000000e+00 : f32
    %add3A_1289 = arith.addf %round3A_1287, %add3A_1288 : f32
    %convert_element_type3A_1290 = arith.fptosi %add3A_1289 : f32 to i32
    %ge3A_1291 = vector.broadcast %convert_element_type3A_1272 : i32 to vector<256x1xi32>
    %ge3A_1292 = arith.cmpi sge, %iota3A, %ge3A_1291 : vector<256x1xi32>
    %lt3A_1293 = vector.broadcast %convert_element_type3A_1290 : i32 to vector<256x1xi32>
    %lt3A_1294 = arith.cmpi slt, %iota3A, %lt3A_1293 : vector<256x1xi32>
    %and3A_1295 = arith.andi %ge3A_1292, %lt3A_1294 : vector<256x1xi1>
    %ne3A_1296 = arith.constant 0 : i32
    %ne3A_1297 = arith.cmpi ne, %get3A_1252, %ne3A_1296 : i32
    %and3A_1298 = vector.broadcast %ne3A_1297 : i1 to vector<256x1xi1>
    %and3A_1299 = arith.andi %and3A_1295, %and3A_1298 : vector<256x1xi1>
    %ge3A_1300 = vector.broadcast %convert_element_type3A_1265 : i32 to vector<1x384xi32>
    %ge3A_1301 = arith.cmpi sge, %iota3A_0, %ge3A_1300 : vector<1x384xi32>
    %lt3A_1302 = vector.broadcast %convert_element_type3A_1281 : i32 to vector<1x384xi32>
    %lt3A_1303 = arith.cmpi slt, %iota3A_0, %lt3A_1302 : vector<1x384xi32>
    %and3A_1304 = arith.andi %ge3A_1301, %lt3A_1303 : vector<1x384xi1>
    %and3A_1305 = vector.broadcast %and3A_1299 : vector<256x1xi1> to vector<256x384xi1>
    %and3A_1306 = vector.broadcast %and3A_1304 : vector<1x384xi1> to vector<256x384xi1>
    %and3A_1307 = arith.andi %and3A_1305, %and3A_1306 : vector<256x384xi1>
    %get3A_1308 = arith.constant 0 : index
    %get3A_1309 = arith.index_cast %min3A_1258 : i32 to index
    %get3A_1310 = arith.constant 0 : index
    %get3A_1311 = arith.constant 0 : index
    %get3A_1312 = vector.load %arg3[%get3A_1308, %get3A_1309, %get3A_1310, %get3A_1311] : memref<1x19x256x512xf32, #tpu.memory_space<vmem>>, vector<1x1x256x384xf32>
    %get3A_1313 = vector.shape_cast %get3A_1312 : vector<1x1x256x384xf32> to vector<256x384xf32>
    %jit3A_1314 = arith.constant 0.000000e+00 : f32
    %broadcast_in_dim3A_1315 = vector.broadcast %jit3A_1314 : f32 to vector<256x384xf32>
    %select_n3A_1316 = arith.select %and3A_1307, %get3A_1313, %broadcast_in_dim3A_1315 : vector<256x384xi1>, vector<256x384xf32>
    %swap3A_1317 = arith.constant 0 : index
    %swap3A_1318 = arith.constant 15 : index
    %swap3A_1319 = arith.constant 0 : index
    %swap3A_1320 = arith.constant 0 : index
    %swap3A_1321 = vector.load %arg4[%swap3A_1317, %swap3A_1318, %swap3A_1319, %swap3A_1320] : memref<1x20x256x512xf32, #tpu.memory_space<vmem>>, vector<1x1x256x384xf32>
    %swap3A_1322 = vector.shape_cast %swap3A_1321 : vector<1x1x256x384xf32> to vector<256x384xf32>
    %swap3A_1323 = vector.shape_cast %select_n3A_1316 : vector<256x384xf32> to vector<1x1x256x384xf32>
    tpu.vector_store %arg4[%swap3A_1317, %swap3A_1318, %swap3A_1319, %swap3A_1320], %swap3A_1323 {strides = array<i32>} : memref<1x20x256x512xf32, #tpu.memory_space<vmem>>, vector<1x1x256x384xf32>,
    %swap3A_1324 = arith.constant 0 : index
    %swap3A_1325 = arith.constant 15 : index
    %swap3A_1326 = arith.constant 0 : index
    %swap3A_1327 = arith.constant 384 : index
    %swap3A_1328 = vector.load %arg4[%swap3A_1324, %swap3A_1325, %swap3A_1326, %swap3A_1327] : memref<1x20x256x512xf32, #tpu.memory_space<vmem>>, vector<1x1x256x128xf32>
    %swap3A_1329 = vector.shape_cast %swap3A_1328 : vector<1x1x256x128xf32> to vector<256x128xf32>
    %swap3A_1330 = vector.shape_cast %broadcast_in_dim3A_1 : vector<256x128xf32> to vector<1x1x256x128xf32>
    tpu.vector_store %arg4[%swap3A_1324, %swap3A_1325, %swap3A_1326, %swap3A_1327], %swap3A_1330 {strides = array<i32>} : memref<1x20x256x512xf32, #tpu.memory_space<vmem>>, vector<1x1x256x128xf32>,
    %mul3A_1331 = arith.constant 20 : i32
    %mul3A_1332 = arith.muli %arg0, %mul3A_1331 : i32
    %add3A_1333 = arith.constant 16 : i32
    %add3A_1334 = arith.addi %mul3A_1332, %add3A_1333 : i32
    %get3A_1335 = arith.index_cast %add3A_1334 : i32 to index
    %get3A_1336 = memref.load %arg1[%get3A_1335] : memref<200xi32, #tpu.memory_space<smem>>
    %add3A_1337 = arith.constant 10 : i32
    %add3A_1338 = arith.addi %get3A_1336, %add3A_1337 : i32
    %jit3A_1339 = arith.constant 0 : i32
    %jit3A_1340 = arith.constant 18 : i32
    %max3A_1341 = arith.maxsi %jit3A_1339, %add3A_1338 : i32
    %min3A_1342 = arith.minsi %jit3A_1340, %max3A_1341 : i32
    %get3A_1343 = arith.index_cast %add3A_1334 : i32 to index
    %get3A_1344 = arith.constant 1 : index
    %get3A_1345 = memref.load %arg2[%get3A_1343, %get3A_1344] : memref<200x5xf32, #tpu.memory_space<smem>>
    %mul3A_1346 = arith.constant 2.500000e-01 : f32
    %mul3A_1347 = arith.mulf %get3A_1345, %mul3A_1346 : f32
    %floor3A_1348 = math.floor %mul3A_1347 : f32
    %convert_element_type3A_1349 = arith.fptosi %floor3A_1348 : f32 to i32
    %get3A_1350 = arith.index_cast %add3A_1334 : i32 to index
    %get3A_1351 = arith.constant 2 : index
    %get3A_1352 = memref.load %arg2[%get3A_1350, %get3A_1351] : memref<200x5xf32, #tpu.memory_space<smem>>
    %mul3A_1353 = arith.constant 2.500000e-01 : f32
    %mul3A_1354 = arith.mulf %get3A_1352, %mul3A_1353 : f32
    %floor3A_1355 = math.floor %mul3A_1354 : f32
    %convert_element_type3A_1356 = arith.fptosi %floor3A_1355 : f32 to i32
    %get3A_1357 = arith.index_cast %add3A_1334 : i32 to index
    %get3A_1358 = arith.constant 3 : index
    %get3A_1359 = memref.load %arg2[%get3A_1357, %get3A_1358] : memref<200x5xf32, #tpu.memory_space<smem>>
    %mul3A_1360 = arith.constant 2.500000e-01 : f32
    %mul3A_1361 = arith.mulf %get3A_1359, %mul3A_1360 : f32
    %round3A_1362 = math.roundeven %mul3A_1361 : f32
    %add3A_1363 = arith.constant 1.000000e+00 : f32
    %add3A_1364 = arith.addf %round3A_1362, %add3A_1363 : f32
    %convert_element_type3A_1365 = arith.fptosi %add3A_1364 : f32 to i32
    %get3A_1366 = arith.index_cast %add3A_1334 : i32 to index
    %get3A_1367 = arith.constant 4 : index
    %get3A_1368 = memref.load %arg2[%get3A_1366, %get3A_1367] : memref<200x5xf32, #tpu.memory_space<smem>>
    %mul3A_1369 = arith.constant 2.500000e-01 : f32
    %mul3A_1370 = arith.mulf %get3A_1368, %mul3A_1369 : f32
    %round3A_1371 = math.roundeven %mul3A_1370 : f32
    %add3A_1372 = arith.constant 1.000000e+00 : f32
    %add3A_1373 = arith.addf %round3A_1371, %add3A_1372 : f32
    %convert_element_type3A_1374 = arith.fptosi %add3A_1373 : f32 to i32
    %ge3A_1375 = vector.broadcast %convert_element_type3A_1356 : i32 to vector<256x1xi32>
    %ge3A_1376 = arith.cmpi sge, %iota3A, %ge3A_1375 : vector<256x1xi32>
    %lt3A_1377 = vector.broadcast %convert_element_type3A_1374 : i32 to vector<256x1xi32>
    %lt3A_1378 = arith.cmpi slt, %iota3A, %lt3A_1377 : vector<256x1xi32>
    %and3A_1379 = arith.andi %ge3A_1376, %lt3A_1378 : vector<256x1xi1>
    %ne3A_1380 = arith.constant 0 : i32
    %ne3A_1381 = arith.cmpi ne, %get3A_1336, %ne3A_1380 : i32
    %and3A_1382 = vector.broadcast %ne3A_1381 : i1 to vector<256x1xi1>
    %and3A_1383 = arith.andi %and3A_1379, %and3A_1382 : vector<256x1xi1>
    %ge3A_1384 = vector.broadcast %convert_element_type3A_1349 : i32 to vector<1x384xi32>
    %ge3A_1385 = arith.cmpi sge, %iota3A_0, %ge3A_1384 : vector<1x384xi32>
    %lt3A_1386 = vector.broadcast %convert_element_type3A_1365 : i32 to vector<1x384xi32>
    %lt3A_1387 = arith.cmpi slt, %iota3A_0, %lt3A_1386 : vector<1x384xi32>
    %and3A_1388 = arith.andi %ge3A_1385, %lt3A_1387 : vector<1x384xi1>
    %and3A_1389 = vector.broadcast %and3A_1383 : vector<256x1xi1> to vector<256x384xi1>
    %and3A_1390 = vector.broadcast %and3A_1388 : vector<1x384xi1> to vector<256x384xi1>
    %and3A_1391 = arith.andi %and3A_1389, %and3A_1390 : vector<256x384xi1>
    %get3A_1392 = arith.constant 0 : index
    %get3A_1393 = arith.index_cast %min3A_1342 : i32 to index
    %get3A_1394 = arith.constant 0 : index
    %get3A_1395 = arith.constant 0 : index
    %get3A_1396 = vector.load %arg3[%get3A_1392, %get3A_1393, %get3A_1394, %get3A_1395] : memref<1x19x256x512xf32, #tpu.memory_space<vmem>>, vector<1x1x256x384xf32>
    %get3A_1397 = vector.shape_cast %get3A_1396 : vector<1x1x256x384xf32> to vector<256x384xf32>
    %jit3A_1398 = arith.constant 0.000000e+00 : f32
    %broadcast_in_dim3A_1399 = vector.broadcast %jit3A_1398 : f32 to vector<256x384xf32>
    %select_n3A_1400 = arith.select %and3A_1391, %get3A_1397, %broadcast_in_dim3A_1399 : vector<256x384xi1>, vector<256x384xf32>
    %swap3A_1401 = arith.constant 0 : index
    %swap3A_1402 = arith.constant 16 : index
    %swap3A_1403 = arith.constant 0 : index
    %swap3A_1404 = arith.constant 0 : index
    %swap3A_1405 = vector.load %arg4[%swap3A_1401, %swap3A_1402, %swap3A_1403, %swap3A_1404] : memref<1x20x256x512xf32, #tpu.memory_space<vmem>>, vector<1x1x256x384xf32>
    %swap3A_1406 = vector.shape_cast %swap3A_1405 : vector<1x1x256x384xf32> to vector<256x384xf32>
    %swap3A_1407 = vector.shape_cast %select_n3A_1400 : vector<256x384xf32> to vector<1x1x256x384xf32>
    tpu.vector_store %arg4[%swap3A_1401, %swap3A_1402, %swap3A_1403, %swap3A_1404], %swap3A_1407 {strides = array<i32>} : memref<1x20x256x512xf32, #tpu.memory_space<vmem>>, vector<1x1x256x384xf32>,
    %swap3A_1408 = arith.constant 0 : index
    %swap3A_1409 = arith.constant 16 : index
    %swap3A_1410 = arith.constant 0 : index
    %swap3A_1411 = arith.constant 384 : index
    %swap3A_1412 = vector.load %arg4[%swap3A_1408, %swap3A_1409, %swap3A_1410, %swap3A_1411] : memref<1x20x256x512xf32, #tpu.memory_space<vmem>>, vector<1x1x256x128xf32>
    %swap3A_1413 = vector.shape_cast %swap3A_1412 : vector<1x1x256x128xf32> to vector<256x128xf32>
    %swap3A_1414 = vector.shape_cast %broadcast_in_dim3A_1 : vector<256x128xf32> to vector<1x1x256x128xf32>
    tpu.vector_store %arg4[%swap3A_1408, %swap3A_1409, %swap3A_1410, %swap3A_1411], %swap3A_1414 {strides = array<i32>} : memref<1x20x256x512xf32, #tpu.memory_space<vmem>>, vector<1x1x256x128xf32>,
    %mul3A_1415 = arith.constant 20 : i32
    %mul3A_1416 = arith.muli %arg0, %mul3A_1415 : i32
    %add3A_1417 = arith.constant 17 : i32
    %add3A_1418 = arith.addi %mul3A_1416, %add3A_1417 : i32
    %get3A_1419 = arith.index_cast %add3A_1418 : i32 to index
    %get3A_1420 = memref.load %arg1[%get3A_1419] : memref<200xi32, #tpu.memory_space<smem>>
    %add3A_1421 = arith.constant 10 : i32
    %add3A_1422 = arith.addi %get3A_1420, %add3A_1421 : i32
    %jit3A_1423 = arith.constant 0 : i32
    %jit3A_1424 = arith.constant 18 : i32
    %max3A_1425 = arith.maxsi %jit3A_1423, %add3A_1422 : i32
    %min3A_1426 = arith.minsi %jit3A_1424, %max3A_1425 : i32
    %get3A_1427 = arith.index_cast %add3A_1418 : i32 to index
    %get3A_1428 = arith.constant 1 : index
    %get3A_1429 = memref.load %arg2[%get3A_1427, %get3A_1428] : memref<200x5xf32, #tpu.memory_space<smem>>
    %mul3A_1430 = arith.constant 2.500000e-01 : f32
    %mul3A_1431 = arith.mulf %get3A_1429, %mul3A_1430 : f32
    %floor3A_1432 = math.floor %mul3A_1431 : f32
    %convert_element_type3A_1433 = arith.fptosi %floor3A_1432 : f32 to i32
    %get3A_1434 = arith.index_cast %add3A_1418 : i32 to index
    %get3A_1435 = arith.constant 2 : index
    %get3A_1436 = memref.load %arg2[%get3A_1434, %get3A_1435] : memref<200x5xf32, #tpu.memory_space<smem>>
    %mul3A_1437 = arith.constant 2.500000e-01 : f32
    %mul3A_1438 = arith.mulf %get3A_1436, %mul3A_1437 : f32
    %floor3A_1439 = math.floor %mul3A_1438 : f32
    %convert_element_type3A_1440 = arith.fptosi %floor3A_1439 : f32 to i32
    %get3A_1441 = arith.index_cast %add3A_1418 : i32 to index
    %get3A_1442 = arith.constant 3 : index
    %get3A_1443 = memref.load %arg2[%get3A_1441, %get3A_1442] : memref<200x5xf32, #tpu.memory_space<smem>>
    %mul3A_1444 = arith.constant 2.500000e-01 : f32
    %mul3A_1445 = arith.mulf %get3A_1443, %mul3A_1444 : f32
    %round3A_1446 = math.roundeven %mul3A_1445 : f32
    %add3A_1447 = arith.constant 1.000000e+00 : f32
    %add3A_1448 = arith.addf %round3A_1446, %add3A_1447 : f32
    %convert_element_type3A_1449 = arith.fptosi %add3A_1448 : f32 to i32
    %get3A_1450 = arith.index_cast %add3A_1418 : i32 to index
    %get3A_1451 = arith.constant 4 : index
    %get3A_1452 = memref.load %arg2[%get3A_1450, %get3A_1451] : memref<200x5xf32, #tpu.memory_space<smem>>
    %mul3A_1453 = arith.constant 2.500000e-01 : f32
    %mul3A_1454 = arith.mulf %get3A_1452, %mul3A_1453 : f32
    %round3A_1455 = math.roundeven %mul3A_1454 : f32
    %add3A_1456 = arith.constant 1.000000e+00 : f32
    %add3A_1457 = arith.addf %round3A_1455, %add3A_1456 : f32
    %convert_element_type3A_1458 = arith.fptosi %add3A_1457 : f32 to i32
    %ge3A_1459 = vector.broadcast %convert_element_type3A_1440 : i32 to vector<256x1xi32>
    %ge3A_1460 = arith.cmpi sge, %iota3A, %ge3A_1459 : vector<256x1xi32>
    %lt3A_1461 = vector.broadcast %convert_element_type3A_1458 : i32 to vector<256x1xi32>
    %lt3A_1462 = arith.cmpi slt, %iota3A, %lt3A_1461 : vector<256x1xi32>
    %and3A_1463 = arith.andi %ge3A_1460, %lt3A_1462 : vector<256x1xi1>
    %ne3A_1464 = arith.constant 0 : i32
    %ne3A_1465 = arith.cmpi ne, %get3A_1420, %ne3A_1464 : i32
    %and3A_1466 = vector.broadcast %ne3A_1465 : i1 to vector<256x1xi1>
    %and3A_1467 = arith.andi %and3A_1463, %and3A_1466 : vector<256x1xi1>
    %ge3A_1468 = vector.broadcast %convert_element_type3A_1433 : i32 to vector<1x384xi32>
    %ge3A_1469 = arith.cmpi sge, %iota3A_0, %ge3A_1468 : vector<1x384xi32>
    %lt3A_1470 = vector.broadcast %convert_element_type3A_1449 : i32 to vector<1x384xi32>
    %lt3A_1471 = arith.cmpi slt, %iota3A_0, %lt3A_1470 : vector<1x384xi32>
    %and3A_1472 = arith.andi %ge3A_1469, %lt3A_1471 : vector<1x384xi1>
    %and3A_1473 = vector.broadcast %and3A_1467 : vector<256x1xi1> to vector<256x384xi1>
    %and3A_1474 = vector.broadcast %and3A_1472 : vector<1x384xi1> to vector<256x384xi1>
    %and3A_1475 = arith.andi %and3A_1473, %and3A_1474 : vector<256x384xi1>
    %get3A_1476 = arith.constant 0 : index
    %get3A_1477 = arith.index_cast %min3A_1426 : i32 to index
    %get3A_1478 = arith.constant 0 : index
    %get3A_1479 = arith.constant 0 : index
    %get3A_1480 = vector.load %arg3[%get3A_1476, %get3A_1477, %get3A_1478, %get3A_1479] : memref<1x19x256x512xf32, #tpu.memory_space<vmem>>, vector<1x1x256x384xf32>
    %get3A_1481 = vector.shape_cast %get3A_1480 : vector<1x1x256x384xf32> to vector<256x384xf32>
    %jit3A_1482 = arith.constant 0.000000e+00 : f32
    %broadcast_in_dim3A_1483 = vector.broadcast %jit3A_1482 : f32 to vector<256x384xf32>
    %select_n3A_1484 = arith.select %and3A_1475, %get3A_1481, %broadcast_in_dim3A_1483 : vector<256x384xi1>, vector<256x384xf32>
    %swap3A_1485 = arith.constant 0 : index
    %swap3A_1486 = arith.constant 17 : index
    %swap3A_1487 = arith.constant 0 : index
    %swap3A_1488 = arith.constant 0 : index
    %swap3A_1489 = vector.load %arg4[%swap3A_1485, %swap3A_1486, %swap3A_1487, %swap3A_1488] : memref<1x20x256x512xf32, #tpu.memory_space<vmem>>, vector<1x1x256x384xf32>
    %swap3A_1490 = vector.shape_cast %swap3A_1489 : vector<1x1x256x384xf32> to vector<256x384xf32>
    %swap3A_1491 = vector.shape_cast %select_n3A_1484 : vector<256x384xf32> to vector<1x1x256x384xf32>
    tpu.vector_store %arg4[%swap3A_1485, %swap3A_1486, %swap3A_1487, %swap3A_1488], %swap3A_1491 {strides = array<i32>} : memref<1x20x256x512xf32, #tpu.memory_space<vmem>>, vector<1x1x256x384xf32>,
    %swap3A_1492 = arith.constant 0 : index
    %swap3A_1493 = arith.constant 17 : index
    %swap3A_1494 = arith.constant 0 : index
    %swap3A_1495 = arith.constant 384 : index
    %swap3A_1496 = vector.load %arg4[%swap3A_1492, %swap3A_1493, %swap3A_1494, %swap3A_1495] : memref<1x20x256x512xf32, #tpu.memory_space<vmem>>, vector<1x1x256x128xf32>
    %swap3A_1497 = vector.shape_cast %swap3A_1496 : vector<1x1x256x128xf32> to vector<256x128xf32>
    %swap3A_1498 = vector.shape_cast %broadcast_in_dim3A_1 : vector<256x128xf32> to vector<1x1x256x128xf32>
    tpu.vector_store %arg4[%swap3A_1492, %swap3A_1493, %swap3A_1494, %swap3A_1495], %swap3A_1498 {strides = array<i32>} : memref<1x20x256x512xf32, #tpu.memory_space<vmem>>, vector<1x1x256x128xf32>,
    %mul3A_1499 = arith.constant 20 : i32
    %mul3A_1500 = arith.muli %arg0, %mul3A_1499 : i32
    %add3A_1501 = arith.constant 18 : i32
    %add3A_1502 = arith.addi %mul3A_1500, %add3A_1501 : i32
    %get3A_1503 = arith.index_cast %add3A_1502 : i32 to index
    %get3A_1504 = memref.load %arg1[%get3A_1503] : memref<200xi32, #tpu.memory_space<smem>>
    %add3A_1505 = arith.constant 10 : i32
    %add3A_1506 = arith.addi %get3A_1504, %add3A_1505 : i32
    %jit3A_1507 = arith.constant 0 : i32
    %jit3A_1508 = arith.constant 18 : i32
    %max3A_1509 = arith.maxsi %jit3A_1507, %add3A_1506 : i32
    %min3A_1510 = arith.minsi %jit3A_1508, %max3A_1509 : i32
    %get3A_1511 = arith.index_cast %add3A_1502 : i32 to index
    %get3A_1512 = arith.constant 1 : index
    %get3A_1513 = memref.load %arg2[%get3A_1511, %get3A_1512] : memref<200x5xf32, #tpu.memory_space<smem>>
    %mul3A_1514 = arith.constant 2.500000e-01 : f32
    %mul3A_1515 = arith.mulf %get3A_1513, %mul3A_1514 : f32
    %floor3A_1516 = math.floor %mul3A_1515 : f32
    %convert_element_type3A_1517 = arith.fptosi %floor3A_1516 : f32 to i32
    %get3A_1518 = arith.index_cast %add3A_1502 : i32 to index
    %get3A_1519 = arith.constant 2 : index
    %get3A_1520 = memref.load %arg2[%get3A_1518, %get3A_1519] : memref<200x5xf32, #tpu.memory_space<smem>>
    %mul3A_1521 = arith.constant 2.500000e-01 : f32
    %mul3A_1522 = arith.mulf %get3A_1520, %mul3A_1521 : f32
    %floor3A_1523 = math.floor %mul3A_1522 : f32
    %convert_element_type3A_1524 = arith.fptosi %floor3A_1523 : f32 to i32
    %get3A_1525 = arith.index_cast %add3A_1502 : i32 to index
    %get3A_1526 = arith.constant 3 : index
    %get3A_1527 = memref.load %arg2[%get3A_1525, %get3A_1526] : memref<200x5xf32, #tpu.memory_space<smem>>
    %mul3A_1528 = arith.constant 2.500000e-01 : f32
    %mul3A_1529 = arith.mulf %get3A_1527, %mul3A_1528 : f32
    %round3A_1530 = math.roundeven %mul3A_1529 : f32
    %add3A_1531 = arith.constant 1.000000e+00 : f32
    %add3A_1532 = arith.addf %round3A_1530, %add3A_1531 : f32
    %convert_element_type3A_1533 = arith.fptosi %add3A_1532 : f32 to i32
    %get3A_1534 = arith.index_cast %add3A_1502 : i32 to index
    %get3A_1535 = arith.constant 4 : index
    %get3A_1536 = memref.load %arg2[%get3A_1534, %get3A_1535] : memref<200x5xf32, #tpu.memory_space<smem>>
    %mul3A_1537 = arith.constant 2.500000e-01 : f32
    %mul3A_1538 = arith.mulf %get3A_1536, %mul3A_1537 : f32
    %round3A_1539 = math.roundeven %mul3A_1538 : f32
    %add3A_1540 = arith.constant 1.000000e+00 : f32
    %add3A_1541 = arith.addf %round3A_1539, %add3A_1540 : f32
    %convert_element_type3A_1542 = arith.fptosi %add3A_1541 : f32 to i32
    %ge3A_1543 = vector.broadcast %convert_element_type3A_1524 : i32 to vector<256x1xi32>
    %ge3A_1544 = arith.cmpi sge, %iota3A, %ge3A_1543 : vector<256x1xi32>
    %lt3A_1545 = vector.broadcast %convert_element_type3A_1542 : i32 to vector<256x1xi32>
    %lt3A_1546 = arith.cmpi slt, %iota3A, %lt3A_1545 : vector<256x1xi32>
    %and3A_1547 = arith.andi %ge3A_1544, %lt3A_1546 : vector<256x1xi1>
    %ne3A_1548 = arith.constant 0 : i32
    %ne3A_1549 = arith.cmpi ne, %get3A_1504, %ne3A_1548 : i32
    %and3A_1550 = vector.broadcast %ne3A_1549 : i1 to vector<256x1xi1>
    %and3A_1551 = arith.andi %and3A_1547, %and3A_1550 : vector<256x1xi1>
    %ge3A_1552 = vector.broadcast %convert_element_type3A_1517 : i32 to vector<1x384xi32>
    %ge3A_1553 = arith.cmpi sge, %iota3A_0, %ge3A_1552 : vector<1x384xi32>
    %lt3A_1554 = vector.broadcast %convert_element_type3A_1533 : i32 to vector<1x384xi32>
    %lt3A_1555 = arith.cmpi slt, %iota3A_0, %lt3A_1554 : vector<1x384xi32>
    %and3A_1556 = arith.andi %ge3A_1553, %lt3A_1555 : vector<1x384xi1>
    %and3A_1557 = vector.broadcast %and3A_1551 : vector<256x1xi1> to vector<256x384xi1>
    %and3A_1558 = vector.broadcast %and3A_1556 : vector<1x384xi1> to vector<256x384xi1>
    %and3A_1559 = arith.andi %and3A_1557, %and3A_1558 : vector<256x384xi1>
    %get3A_1560 = arith.constant 0 : index
    %get3A_1561 = arith.index_cast %min3A_1510 : i32 to index
    %get3A_1562 = arith.constant 0 : index
    %get3A_1563 = arith.constant 0 : index
    %get3A_1564 = vector.load %arg3[%get3A_1560, %get3A_1561, %get3A_1562, %get3A_1563] : memref<1x19x256x512xf32, #tpu.memory_space<vmem>>, vector<1x1x256x384xf32>
    %get3A_1565 = vector.shape_cast %get3A_1564 : vector<1x1x256x384xf32> to vector<256x384xf32>
    %jit3A_1566 = arith.constant 0.000000e+00 : f32
    %broadcast_in_dim3A_1567 = vector.broadcast %jit3A_1566 : f32 to vector<256x384xf32>
    %select_n3A_1568 = arith.select %and3A_1559, %get3A_1565, %broadcast_in_dim3A_1567 : vector<256x384xi1>, vector<256x384xf32>
    %swap3A_1569 = arith.constant 0 : index
    %swap3A_1570 = arith.constant 18 : index
    %swap3A_1571 = arith.constant 0 : index
    %swap3A_1572 = arith.constant 0 : index
    %swap3A_1573 = vector.load %arg4[%swap3A_1569, %swap3A_1570, %swap3A_1571, %swap3A_1572] : memref<1x20x256x512xf32, #tpu.memory_space<vmem>>, vector<1x1x256x384xf32>
    %swap3A_1574 = vector.shape_cast %swap3A_1573 : vector<1x1x256x384xf32> to vector<256x384xf32>
    %swap3A_1575 = vector.shape_cast %select_n3A_1568 : vector<256x384xf32> to vector<1x1x256x384xf32>
    tpu.vector_store %arg4[%swap3A_1569, %swap3A_1570, %swap3A_1571, %swap3A_1572], %swap3A_1575 {strides = array<i32>} : memref<1x20x256x512xf32, #tpu.memory_space<vmem>>, vector<1x1x256x384xf32>,
    %swap3A_1576 = arith.constant 0 : index
    %swap3A_1577 = arith.constant 18 : index
    %swap3A_1578 = arith.constant 0 : index
    %swap3A_1579 = arith.constant 384 : index
    %swap3A_1580 = vector.load %arg4[%swap3A_1576, %swap3A_1577, %swap3A_1578, %swap3A_1579] : memref<1x20x256x512xf32, #tpu.memory_space<vmem>>, vector<1x1x256x128xf32>
    %swap3A_1581 = vector.shape_cast %swap3A_1580 : vector<1x1x256x128xf32> to vector<256x128xf32>
    %swap3A_1582 = vector.shape_cast %broadcast_in_dim3A_1 : vector<256x128xf32> to vector<1x1x256x128xf32>
    tpu.vector_store %arg4[%swap3A_1576, %swap3A_1577, %swap3A_1578, %swap3A_1579], %swap3A_1582 {strides = array<i32>} : memref<1x20x256x512xf32, #tpu.memory_space<vmem>>, vector<1x1x256x128xf32>,
    %mul3A_1583 = arith.constant 20 : i32
    %mul3A_1584 = arith.muli %arg0, %mul3A_1583 : i32
    %add3A_1585 = arith.constant 19 : i32
    %add3A_1586 = arith.addi %mul3A_1584, %add3A_1585 : i32
    %get3A_1587 = arith.index_cast %add3A_1586 : i32 to index
    %get3A_1588 = memref.load %arg1[%get3A_1587] : memref<200xi32, #tpu.memory_space<smem>>
    %add3A_1589 = arith.constant 10 : i32
    %add3A_1590 = arith.addi %get3A_1588, %add3A_1589 : i32
    %jit3A_1591 = arith.constant 0 : i32
    %jit3A_1592 = arith.constant 18 : i32
    %max3A_1593 = arith.maxsi %jit3A_1591, %add3A_1590 : i32
    %min3A_1594 = arith.minsi %jit3A_1592, %max3A_1593 : i32
    %get3A_1595 = arith.index_cast %add3A_1586 : i32 to index
    %get3A_1596 = arith.constant 1 : index
    %get3A_1597 = memref.load %arg2[%get3A_1595, %get3A_1596] : memref<200x5xf32, #tpu.memory_space<smem>>
    %mul3A_1598 = arith.constant 2.500000e-01 : f32
    %mul3A_1599 = arith.mulf %get3A_1597, %mul3A_1598 : f32
    %floor3A_1600 = math.floor %mul3A_1599 : f32
    %convert_element_type3A_1601 = arith.fptosi %floor3A_1600 : f32 to i32
    %get3A_1602 = arith.index_cast %add3A_1586 : i32 to index
    %get3A_1603 = arith.constant 2 : index
    %get3A_1604 = memref.load %arg2[%get3A_1602, %get3A_1603] : memref<200x5xf32, #tpu.memory_space<smem>>
    %mul3A_1605 = arith.constant 2.500000e-01 : f32
    %mul3A_1606 = arith.mulf %get3A_1604, %mul3A_1605 : f32
    %floor3A_1607 = math.floor %mul3A_1606 : f32
    %convert_element_type3A_1608 = arith.fptosi %floor3A_1607 : f32 to i32
    %get3A_1609 = arith.index_cast %add3A_1586 : i32 to index
    %get3A_1610 = arith.constant 3 : index
    %get3A_1611 = memref.load %arg2[%get3A_1609, %get3A_1610] : memref<200x5xf32, #tpu.memory_space<smem>>
    %mul3A_1612 = arith.constant 2.500000e-01 : f32
    %mul3A_1613 = arith.mulf %get3A_1611, %mul3A_1612 : f32
    %round3A_1614 = math.roundeven %mul3A_1613 : f32
    %add3A_1615 = arith.constant 1.000000e+00 : f32
    %add3A_1616 = arith.addf %round3A_1614, %add3A_1615 : f32
    %convert_element_type3A_1617 = arith.fptosi %add3A_1616 : f32 to i32
    %get3A_1618 = arith.index_cast %add3A_1586 : i32 to index
    %get3A_1619 = arith.constant 4 : index
    %get3A_1620 = memref.load %arg2[%get3A_1618, %get3A_1619] : memref<200x5xf32, #tpu.memory_space<smem>>
    %mul3A_1621 = arith.constant 2.500000e-01 : f32
    %mul3A_1622 = arith.mulf %get3A_1620, %mul3A_1621 : f32
    %round3A_1623 = math.roundeven %mul3A_1622 : f32
    %add3A_1624 = arith.constant 1.000000e+00 : f32
    %add3A_1625 = arith.addf %round3A_1623, %add3A_1624 : f32
    %convert_element_type3A_1626 = arith.fptosi %add3A_1625 : f32 to i32
    %ge3A_1627 = vector.broadcast %convert_element_type3A_1608 : i32 to vector<256x1xi32>
    %ge3A_1628 = arith.cmpi sge, %iota3A, %ge3A_1627 : vector<256x1xi32>
    %lt3A_1629 = vector.broadcast %convert_element_type3A_1626 : i32 to vector<256x1xi32>
    %lt3A_1630 = arith.cmpi slt, %iota3A, %lt3A_1629 : vector<256x1xi32>
    %and3A_1631 = arith.andi %ge3A_1628, %lt3A_1630 : vector<256x1xi1>
    %ne3A_1632 = arith.constant 0 : i32
    %ne3A_1633 = arith.cmpi ne, %get3A_1588, %ne3A_1632 : i32
    %and3A_1634 = vector.broadcast %ne3A_1633 : i1 to vector<256x1xi1>
    %and3A_1635 = arith.andi %and3A_1631, %and3A_1634 : vector<256x1xi1>
    %ge3A_1636 = vector.broadcast %convert_element_type3A_1601 : i32 to vector<1x384xi32>
    %ge3A_1637 = arith.cmpi sge, %iota3A_0, %ge3A_1636 : vector<1x384xi32>
    %lt3A_1638 = vector.broadcast %convert_element_type3A_1617 : i32 to vector<1x384xi32>
    %lt3A_1639 = arith.cmpi slt, %iota3A_0, %lt3A_1638 : vector<1x384xi32>
    %and3A_1640 = arith.andi %ge3A_1637, %lt3A_1639 : vector<1x384xi1>
    %and3A_1641 = vector.broadcast %and3A_1635 : vector<256x1xi1> to vector<256x384xi1>
    %and3A_1642 = vector.broadcast %and3A_1640 : vector<1x384xi1> to vector<256x384xi1>
    %and3A_1643 = arith.andi %and3A_1641, %and3A_1642 : vector<256x384xi1>
    %get3A_1644 = arith.constant 0 : index
    %get3A_1645 = arith.index_cast %min3A_1594 : i32 to index
    %get3A_1646 = arith.constant 0 : index
    %get3A_1647 = arith.constant 0 : index
    %get3A_1648 = vector.load %arg3[%get3A_1644, %get3A_1645, %get3A_1646, %get3A_1647] : memref<1x19x256x512xf32, #tpu.memory_space<vmem>>, vector<1x1x256x384xf32>
    %get3A_1649 = vector.shape_cast %get3A_1648 : vector<1x1x256x384xf32> to vector<256x384xf32>
    %jit3A_1650 = arith.constant 0.000000e+00 : f32
    %broadcast_in_dim3A_1651 = vector.broadcast %jit3A_1650 : f32 to vector<256x384xf32>
    %select_n3A_1652 = arith.select %and3A_1643, %get3A_1649, %broadcast_in_dim3A_1651 : vector<256x384xi1>, vector<256x384xf32>
    %swap3A_1653 = arith.constant 0 : index
    %swap3A_1654 = arith.constant 19 : index
    %swap3A_1655 = arith.constant 0 : index
    %swap3A_1656 = arith.constant 0 : index
    %swap3A_1657 = vector.load %arg4[%swap3A_1653, %swap3A_1654, %swap3A_1655, %swap3A_1656] : memref<1x20x256x512xf32, #tpu.memory_space<vmem>>, vector<1x1x256x384xf32>
    %swap3A_1658 = vector.shape_cast %swap3A_1657 : vector<1x1x256x384xf32> to vector<256x384xf32>
    %swap3A_1659 = vector.shape_cast %select_n3A_1652 : vector<256x384xf32> to vector<1x1x256x384xf32>
    tpu.vector_store %arg4[%swap3A_1653, %swap3A_1654, %swap3A_1655, %swap3A_1656], %swap3A_1659 {strides = array<i32>} : memref<1x20x256x512xf32, #tpu.memory_space<vmem>>, vector<1x1x256x384xf32>,
    %swap3A_1660 = arith.constant 0 : index
    %swap3A_1661 = arith.constant 19 : index
    %swap3A_1662 = arith.constant 0 : index
    %swap3A_1663 = arith.constant 384 : index
    %swap3A_1664 = vector.load %arg4[%swap3A_1660, %swap3A_1661, %swap3A_1662, %swap3A_1663] : memref<1x20x256x512xf32, #tpu.memory_space<vmem>>, vector<1x1x256x128xf32>
    %swap3A_1665 = vector.shape_cast %swap3A_1664 : vector<1x1x256x128xf32> to vector<256x128xf32>
    %swap3A_1666 = vector.shape_cast %broadcast_in_dim3A_1 : vector<256x128xf32> to vector<1x1x256x128xf32>
    tpu.vector_store %arg4[%swap3A_1660, %swap3A_1661, %swap3A_1662, %swap3A_1663], %swap3A_1666 {strides = array<i32>} : memref<1x20x256x512xf32, #tpu.memory_space<vmem>>, vector<1x1x256x128xf32>,
    return
  }
  func.func @transform_0(%arg0: i32) -> i32 {
    %c0_i32 = arith.constant 0 : i32
    %c0_i32_0 = arith.constant 0 : i32
    return %c0_i32 : i32
  }
  func.func @transform_1(%arg0: i32) -> (i32, i32) {
    %c0_i32 = arith.constant 0 : i32
    %c0_i32_0 = arith.constant 0 : i32
    %c0_i32_1 = arith.constant 0 : i32
    return %c0_i32, %c0_i32_0 : i32, i32
  }
  func.func @transform_2(%arg0: i32) -> (i32, i32, i32, i32) {
    %c0_i32 = arith.constant 0 : i32
    %c0_i32_0 = arith.constant 0 : i32
    %c0_i32_1 = arith.constant 0 : i32
    %c0_i32_2 = arith.constant 0 : i32
    %c0_i32_3 = arith.constant 0 : i32
    return %c0_i32, %c0_i32_0, %c0_i32_1, %c0_i32_2 : i32, i32, i32, i32
  }
  func.func @transform_3(%arg0: i32) -> (i32, i32, i32, i32) {
    %c0_i32 = arith.constant 0 : i32
    %c0_i32_0 = arith.constant 0 : i32
    %c0_i32_1 = arith.constant 0 : i32
    %c0_i32_2 = arith.constant 0 : i32
    return %c0_i32, %arg0, %c0_i32_0, %c0_i32_1 : i32, i32, i32, i32
  }
}

</mosaic_0001>

<sc_bundles>
// kernel: kernel.4.cloned.1.call-start
scs
__scs_entry_jumppad:
0x0: {  	(pc) =	sbr.rel $0x88, $3  }
0x1: {  	(tag) =	ssettag $0x0;
	lr =	simm.s32 $0x1  }
0x2: {  	[smem:$0x3F9E] =	sst lr;
	_ =	strace $0xD0000000  }
0x3: {  	_ = 	snop  }
0x4: {  	_ = 	snop  }
0x5: {  	_ = 	snop  }
0x6: {  	_ = 	snop  }
0x7: {  	_ = 	snop  }
__scs_overlays_trampoline_lowered:
0x8: {  	[smem:$0x3FAD] =	sst s0  }
0x9: {  	[smem:$0x3FAE] =	sst s1  }
0xa: {  	[smem:$0x3FAF] =	sst s2  }
0xb: {  	[smem:$0x3FB0] =	sst s3  }
0xc: {  	[smem:$0x3FB1] =	sst s4  }
0xd: {  	[smem:$0x3FB2] =	sst s5  }
0xe: {  	[smem:$0x3FB3] =	sst s6  }
0xf: {  	[smem:$0x3FB4] =	sst s7  }
0x10: {  	[smem:$0x3FB5] =	sst s8  }
0x11: {  	[smem:$0x3FB6] =	sst s9;
	s0 =	simm.s32 @!p0 $0x0  }
0x12: {  	s1 =	sld [smem:$0x3F9C];
	s0 =	simm.s32 @p0 $0x1  }
0x13: {  	[smem:$0x3FB7] =	sst s0;
	s0 =	simm.s32 @!p1 $0x0  }
0x14: {  	s2 =	sld [smem:$0x3F9B];
	s0 =	simm.s32 @p1 $0x1  }
0x15: {  	[smem:$0x3FB8] =	sst s0;
	s0 =	simm.s32 @!p2 $0x0  }
0x16: {  	s3 =	sld [smem:$0x3FDB];
	s0 =	simm.s32 @p2 $0x1  }
0x17: {  	s4 =	simm.s32 $0x1BF5;
	[smem:$0x3FBA] =	sst s0  }
0x18: {  	s0 =	sld [smem:$0x3F9D];
	_ =	swait.ge [sflag:s4], $0x0  }
0x19: {  	s7 =	sld [smem:$0x3F9E]  }
0x1a: {  	s8 =	sadd.s32 $0xFFFFE003, lr  }
0x1b: {  	s9 =	sadd.s32 $0xFFFFFEF7, lr;
	s5 =	simm.s32 $0xFFFFFFFF;
	p2 =	slt.u32 s8, $0xFFFFF086  }
0x1c: {  	p1 =	slt.u32 s9, $0xF7A;
	s5 =	simm.s32 @!p2 $0x0  }
0x1d: {  	s5 =	simm.s32 @p1 $0x1;
	p0 =	seq.s32 s7, s2  }
0x1e: {  	s7 =	smul.u32 @!p0 $0xF7A, s2;
	p2 =	seq.s32 @!p0 s5, $0x0  }
0x1f: {  	s9 =	smul.u32 $0xF7A, s1;
	s8 =	simm.s32 @!p0 $0x1BF5;
	p2 =	por !p2, p0  }
0x20: {  	[sflag:s8] =	ssyncset.s32 @!p0 $0xFFFFF086;
	s6 =	sadd.s32 @!p0 s3, s7;
	s7 =	simm.s32 @!p0 $0x108  }
0x21: {  	s3 =	sadd.s32 s3, s9;
	s6 =	sadd.s32 @!p0 $0x88, s6;
	s7 =	simm.s32 @p2 $0x1082  }
0x22: {  	[simem:s7], [sflag:s8] =	dma.local @!p0 [hbm:s6], $0xF7A  }
0x23: {  	s9 =	sor.u32 $0xD0000000, s2;
	s6 =	simm.s32 $0x108;
	_ =	swait.ge @!p0 [sflag:s8], $0x0  }
0x24: {  	s3 =	sadd.s32 $0x88, s3;
	s6 =	simm.s32 @!p1 $0x1082;
	[sflag:s4] =	ssyncset.s32 $0xFFFFF086  }
0x25: {  	[simem:s6], [sflag:s4] =	dma.local [hbm:s3], $0xF7A  }
0x26: {  	[smem:$0x3F9E] =	sst s1;
	(tag) =	ssettag s2;
	_ =	strace s9  }
0x27: {  	s1 =	sld [smem:$0x3FAE]  }
0x28: {  	s2 =	sld [smem:$0x3FAF]  }
0x29: {  	s4 =	sld [smem:$0x3FB1]  }
0x2a: {  	p0 =	seq.s32 s5, $0x0;
	s5 =	sld [smem:$0x3FB2]  }
0x2b: {  	s6 =	sld [smem:$0x3FB3]  }
0x2c: {  	s7 =	sld [smem:$0x3FB4]  }
0x2d: {  	s3 =	simm.s32 $0x108;
	s8 =	sld [smem:$0x3FB5]  }
0x2e: {  	s3 =	simm.s32 @!p0 $0x1082;
	s9 =	sld [smem:$0x3FB6]  }
0x2f: {  	lr =	sadd.s32 s0, s3;
	s0 =	sld [smem:$0x3FAD]  }
0x30: {  	s3 =	sld [smem:$0x3FB0]  }
0x31: {  	[smem:$0x3FB9] =	sst s10  }
0x32: {  	s10 =	sld [smem:$0x3FB7];
	_ =	sdelay $0x3  }
0x33: {  	p0 =	seq.s32 s10, $0x1;
	s10 =	sld [smem:$0x3FB9];
	_ =	sdelay $0x3  }
0x34: {  	[smem:$0x3FB9] =	sst s10  }
0x35: {  	s10 =	sld [smem:$0x3FB8];
	_ =	sdelay $0x3  }
0x36: {  	p1 =	seq.s32 s10, $0x1;
	s10 =	sld [smem:$0x3FB9];
	_ =	sdelay $0x3  }
0x37: {  	[smem:$0x3FB9] =	sst s10  }
0x38: {  	s10 =	sld [smem:$0x3FBA]  }
0x39: {  	_ = 	snop;
	(pc) =	sbr.ind lr, $3  }
0x3a: {  	_ = 	snop  }
0x3b: {  	_ = 	snop  }
0x3c: {  	p2 =	seq.s32 s10, $0x1;
	s10 =	sld [smem:$0x3FB9]  }
0x3d: {  	_ =	shalt  }
0x3e: {  	_ =	shalt  }
0x3f: {  	_ =	shalt  }
0x40: {  	_ =	shalt  }
0x41: {  	_ =	shalt  }
0x42: {  	_ =	shalt  }
0x43: {  	_ =	shalt  }
0x44: {  	_ =	shalt  }
0x45: {  	_ =	shalt  }
0x46: {  	_ =	shalt  }
0x47: {  	_ =	shalt  }
0x48: {  	_ =	shalt  }
0x49: {  	_ =	shalt  }
0x4a: {  	_ =	shalt  }
0x4b: {  	_ =	shalt  }
0x4c: {  	_ =	shalt  }
0x4d: {  	_ =	shalt  }
0x4e: {  	_ =	shalt  }
0x4f: {  	_ =	shalt  }
0x50: {  	_ =	shalt  }
0x51: {  	_ =	shalt  }
0x52: {  	_ =	shalt  }
0x53: {  	_ =	shalt  }
0x54: {  	_ =	shalt  }
0x55: {  	_ =	shalt  }
0x56: {  	_ =	shalt  }
0x57: {  	_ =	shalt  }
0x58: {  	_ =	shalt  }
0x59: {  	_ =	shalt  }
0x5a: {  	_ =	shalt  }
0x5b: {  	_ =	shalt  }
0x5c: {  	_ =	shalt  }
0x5d: {  	_ =	shalt  }
0x5e: {  	_ =	shalt  }
0x5f: {  	_ =	shalt  }
0x60: {  	_ =	shalt  }
0x61: {  	_ =	shalt  }
0x62: {  	_ =	shalt  }
0x63: {  	_ =	shalt  }
0x64: {  	_ =	shalt  }
0x65: {  	_ =	shalt  }
0x66: {  	_ =	shalt  }
0x67: {  	_ =	shalt  }
0x68: {  	_ =	shalt  }
0x69: {  	_ =	shalt  }
0x6a: {  	_ =	shalt  }
0x6b: {  	_ =	shalt  }
0x6c: {  	_ =	shalt  }
0x6d: {  	_ =	shalt  }
0x6e: {  	_ =	shalt  }
0x6f: {  	_ =	shalt  }
0x70: {  	_ =	shalt  }
0x71: {  	_ =	shalt  }
0x72: {  	_ =	shalt  }
0x73: {  	_ =	shalt  }
0x74: {  	_ =	shalt  }
0x75: {  	_ =	shalt  }
0x76: {  	_ =	shalt  }
0x77: {  	_ =	shalt  }
0x78: {  	_ =	shalt  }
0x79: {  	_ =	shalt  }
0x7a: {  	_ =	shalt  }
0x7b: {  	_ =	shalt  }
0x7c: {  	_ =	shalt  }
0x7d: {  	_ =	shalt  }
0x7e: {  	_ =	shalt  }
0x7f: {  	_ =	shalt  }
0x80: {  	_ =	shalt  }
0x81: {  	_ =	shalt  }
0x82: {  	_ =	shalt  }
0x83: {  	_ =	shalt  }
0x84: {  	_ =	shalt  }
0x85: {  	_ =	shalt  }
0x86: {  	_ =	shalt  }
0x87: {  	_ =	shalt  }
.Lfunc_end0:
.L_simem_size_0:
called_computation_lowered:
.L_overlay_start_0:
0x88: {  	s2 =	sld [smem:$0x3FD9]  }
0x89: {  	s3 =	sld [smem:$0x3FFE];
	_ =	sdelay $0x1  }
0x8a: {  	s1 =	srdreg.scid  }
0x8b: {  	s0 =	sand.u32 $0x1, s1  }
0x8c: {  	s15 =	sshll.u32 s0, $0xA;
	s2 =	sadd.s32 s3, s2  }
0x8d: {  	s2 =	sadd.s32 s2, s15  }
0x8e: {  	[smem:$0x3FC5] =	sst s2  }
0x8f: {  	_ = 	snop  }
0x90: {  	s2 =	sld [smem:$0x3FD0];
	_ =	sdelay $0x2  }
0x91: {  	s4 =	simm.s32 $0xA;
	s5 =	simm.s32 $0x10;
	s16 =	sld [smem:$0x3FC8]  }
0x92: {  	[smem:s5], [sflag:s4] =	dma.local [hbm:s2], $0x1  }
0x93: {  	_ =	swait.eq [sflag:s4], $0x1  }
0x94: {  	[sflag:s4] =	ssyncset.done $0x0  }
0x95: {  	[sflag:s4] =	ssyncadd.s32 $0xFFFFFFFF  }
0x96: {  	s17 =	sld [smem:$0x10];
	(tm) =	ssettm $0x1  }
0x97: {  	s18 =	sld [smem:$0x3FFB];
	_ =	sdelay $0x3  }
0x98: {  	_ =	strace s18  }
0x99: {  	s4 =	sld [smem:$0x3FFC];
	_ =	sdelay $0x3  }
0x9a: {  	_ =	strace s4  }
0x9b: {  	s4 =	sld [smem:$0x3FFD];
	_ =	sdelay $0x3  }
0x9c: {  	_ =	strace s4  }
0x9d: {  	_ =	strace $0x8FFFFFFF  }
0x9e: {  	s19 =	sld [smem:$0x3FDB];
	_ =	sdelay $0x1  }
0x9f: {  	s20 =	simm.s32 $_scs_section_size  }
0xa0: {  	s6 =	simm.s32 $_size__tile_overlayer_lowered;
	s7 =	simm.s32 $_tile_overlayer_lowered  }
0xa1: {  	s23 =	simm.s32 $0x1BFF;
	s22 =	sshll.u32 s7, $0x1;
	s4 =	sadd.s32 s20, s19  }
0xa2: {  	s8 =	simm.s32 $0x0;
	s21 =	sshll.u32 s6, $0x1;
	s6 =	sadd.s32 s22, s4  }
0xa3: {  	[timem:s8], [sflag:s23] =	dma.local [hbm:s6], s21  }
0xa4: {  	_ =	swait.ge [sflag:s23], s21  }
0xa5: {  	s5 =	ssub.s32 $0x0, s21;
	[sflag:s23] =	ssyncset.done $0x0  }
0xa6: {  	[sflag:s23] =	ssyncadd.s32 s5;
	_ =	sdelay $0x1  }
0xa7: {  	s24 =	simm.s32 $0x1B8B  }
0xa8: {  	_ =	swait.ge [sflag:s24], $0x1  }
0xa9: {  	[sflag:s24] =	ssyncset.done $0x0  }
0xaa: {  	s25 =	simm.s32 $0x1B8E;
	[sflag:s24] =	ssyncadd.s32 $0xFFFFFFFF  }
0xab: {  	s26 =	simm.s32 $execute0_lowered;
	[smem:$0x3FD2] =	sst s25  }
0xac: {  	s5 =	sshll.u32 s26, $0x1;
	_ =	strace $0x80000046;
	[dreg:$0x1] =	wrdreg $0xFFFFFFFF  }
0xad: {  	s28 =	simm.s32 $_size_execute0_lowered;
	s4 =	sadd.s32 s4, s5;
	[dreg:$0x0] =	wrdreg $0x0  }
0xae: {  	s5 =	sshll.u32 s28, $0x1;
	[dreg:$0x2] =	wrdreg s4  }
0xaf: {  	[dreg:$0x3] =	wrdreg s5  }
0xb0: {  	[dreg:$0x4] =	wrdreg $0xC0  }
0xb1: {  	_ =	task [dreg:s8], $0x5FFFF  }
0xb2: {  	[dreg:$0x1] =	wrdreg $0xFFFFFFFF  }
0xb3: {  	[dreg:$0x0] =	wrdreg $0x60  }
0xb4: {  	[dreg:$0x2] =	wrdreg s16  }
0xb5: {  	[dreg:$0x3] =	wrdreg s17  }
0xb6: {  	[dreg:$0x4] =	wrdreg $0x9  }
0xb7: {  	_ =	task.clear_ibuf [dreg:s8], $0x5FFFF;
	_ =	strace $0x90000046  }
0xb8: {  	s29 =	simm.s32 $0x9;
	_ =	strace $0x80000048  }
0xb9: {  	_ =	swait.ge [sflag:s29], $0x1  }
0xba: {  	[sflag:s29] =	ssyncadd.s32 $0xFFFFFFFF  }
0xbb: {  	_ =	strace $0x90000048  }
0xbc: {  	_ =	sfence  }
0xbd: {  	s30 =	sld [smem:$0x0];
	_ =	sdelay $0x2  }
0xbe: {  	s31 =	sshll.u32 s1, $0xD;
	s1 =	sshrl.u32 s1, $0x2  }
0xbf: {  	s3 =	sand.u32 $0x4000, s31;
	s1 =	sadd.s32 s1, s30  }
0xc0: {  	s0 =	sor.u32 s3, s0;
	s1 =	sshll.u32 s1, $0x11  }
0xc1: {  	s0 =	sor.u32 s1, s0  }
0xc2: {  	s0 =	sadd.s32 $0x8F2B, s0  }
0xc3: {  	[sflag:s0] =	ssyncadd.remote.s32 $0x1  }
0xc4: {  	_ =	sfence.sel $0xFFFF  }
0xc5: {  	[dreg:$0x0] =	wrdreg $0xFFFFFFFF;
	(pc) =	sbr.abs _section_cstart, $3  }
0xc6: {  	[dreg:$0x1] =	wrdreg $0xFFFFFFFF  }
0xc7: {  	_ =	task.clear_ibuf [dreg:s8], $0x2FFFF;
	_ =	strace $0x9FFFFFFF  }
0xc8: {  	(tm) =	ssettm $0x7FFFFFFF  }
0xc9: {  	_ =	shalt  }
tec
execute0_lowered:
.L_overlay_start_1:
0x0: {  	(tag) =	ssettag $0x1  }
0x1: {  	s24 =	rddreg [dreg:$0x0]  }
0x2: {  	s25 =	rddreg [dreg:$0x1];
	s2 =	srdreg.scid  }
0x3: {  	s0 =	rddreg [dreg:$0x2];
	s1 =	stileid.u32;
	s26 =	sand.u32 $0x1, s2  }
0x4: {  	s2 =	simm.s32 $0x0;
	s3 =	sshll.u32 s1, $0xA;
	s4 =	sshll.u32 s26, $0x9  }
0x5: {  	[smem:$0x7FF] =	sst s2;
	s28 =	sor.u32 s4, s3  }
0x6: {  	_ =	strace $0x80000047;
	s3 =	simm.s32 $0x1;
	s4 =	sadd.s32 s24, s28  }
0x7: {  	[tilespmem:s2], [sflag:$0x1] =	stream.linear.gather [hbm4b:s4+s2], $0x1000, $0x38;
	[tilespmem:$0x1000] =	vst v63  }
0x8: {  	_ =	swait.ge [sflag:s3], $0x1000  }
0x9: {  	[sflag:s3] =	ssyncset.done $0x0  }
0xa: {  	s5 =	sadd.s32 s25, s28;
	[sflag:s3] =	ssyncadd.s32 $0xFFFFF000  }
0xb: {  	[hbm4b:s5+s2] =	stream.linear.scatter [tilespmem:s2], [sflag:$0x1], $0x1000, $0x38;
	[tilespmem:$0x1000] =	vst v63  }
0xc: {  	_ =	swait.ge [sflag:s3], $0x1000  }
0xd: {  	s7 =	sor.u32 $0x4000, s28;
	[sflag:s3] =	ssyncset.done $0x0  }
0xe: {  	s6 =	sadd.s32 s24, s7;
	[sflag:s3] =	ssyncadd.s32 $0xFFFFF000  }
0xf: {  	[tilespmem:s2], [sflag:$0x1] =	stream.linear.gather [hbm4b:s6+s2], $0x1000, $0x38;
	[tilespmem:$0x1000] =	vst v63  }
0x10: {  	_ =	swait.ge [sflag:s3], $0x1000  }
0x11: {  	[sflag:s3] =	ssyncset.done $0x0  }
0x12: {  	s7 =	sadd.s32 s25, s7;
	[sflag:s3] =	ssyncadd.s32 $0xFFFFF000  }
0x13: {  	[hbm4b:s7+s2] =	stream.linear.scatter [tilespmem:s2], [sflag:$0x1], $0x1000, $0x38;
	[tilespmem:$0x1000] =	vst v63  }
0x14: {  	_ =	swait.ge [sflag:s3], $0x1000  }
0x15: {  	s9 =	sor.u32 $0x8000, s28;
	[sflag:s3] =	ssyncset.done $0x0  }
0x16: {  	s8 =	sadd.s32 s24, s9;
	[sflag:s3] =	ssyncadd.s32 $0xFFFFF000  }
0x17: {  	[tilespmem:s2], [sflag:$0x1] =	stream.linear.gather [hbm4b:s8+s2], $0x1000, $0x38;
	[tilespmem:$0x1000] =	vst v63  }
0x18: {  	_ =	swait.ge [sflag:s3], $0x1000  }
0x19: {  	[sflag:s3] =	ssyncset.done $0x0  }
0x1a: {  	s9 =	sadd.s32 s25, s9;
	[sflag:s3] =	ssyncadd.s32 $0xFFFFF000  }
0x1b: {  	[hbm4b:s9+s2] =	stream.linear.scatter [tilespmem:s2], [sflag:$0x1], $0x1000, $0x38;
	[tilespmem:$0x1000] =	vst v63  }
0x1c: {  	_ =	swait.ge [sflag:s3], $0x1000  }
0x1d: {  	s11 =	sor.u32 $0xC000, s28;
	[sflag:s3] =	ssyncset.done $0x0  }
0x1e: {  	s10 =	sadd.s32 s24, s11;
	[sflag:s3] =	ssyncadd.s32 $0xFFFFF000  }
0x1f: {  	[tilespmem:s2], [sflag:$0x1] =	stream.linear.gather [hbm4b:s10+s2], $0x1000, $0x38;
	[tilespmem:$0x1000] =	vst v63  }
0x20: {  	_ =	swait.ge [sflag:s3], $0x1000  }
0x21: {  	[sflag:s3] =	ssyncset.done $0x0  }
0x22: {  	s11 =	sadd.s32 s25, s11;
	[sflag:s3] =	ssyncadd.s32 $0xFFFFF000  }
0x23: {  	[hbm4b:s11+s2] =	stream.linear.scatter [tilespmem:s2], [sflag:$0x1], $0x1000, $0x38;
	[tilespmem:$0x1000] =	vst v63  }
0x24: {  	_ =	swait.ge [sflag:s3], $0x1000  }
0x25: {  	s13 =	sor.u32 $0x10000, s28;
	[sflag:s3] =	ssyncset.done $0x0  }
0x26: {  	s12 =	sadd.s32 s24, s13;
	[sflag:s3] =	ssyncadd.s32 $0xFFFFF000  }
0x27: {  	[tilespmem:s2], [sflag:$0x1] =	stream.linear.gather [hbm4b:s12+s2], $0x1000, $0x38;
	[tilespmem:$0x1000] =	vst v63  }
0x28: {  	_ =	swait.ge [sflag:s3], $0x1000  }
0x29: {  	[sflag:s3] =	ssyncset.done $0x0  }
0x2a: {  	s13 =	sadd.s32 s25, s13;
	[sflag:s3] =	ssyncadd.s32 $0xFFFFF000  }
0x2b: {  	[hbm4b:s13+s2] =	stream.linear.scatter [tilespmem:s2], [sflag:$0x1], $0x1000, $0x38;
	[tilespmem:$0x1000] =	vst v63  }
0x2c: {  	_ =	swait.ge [sflag:s3], $0x1000  }
0x2d: {  	s15 =	sor.u32 $0x14000, s28;
	[sflag:s3] =	ssyncset.done $0x0  }
0x2e: {  	s14 =	sadd.s32 s24, s15;
	[sflag:s3] =	ssyncadd.s32 $0xFFFFF000  }
0x2f: {  	[tilespmem:s2], [sflag:$0x1] =	stream.linear.gather [hbm4b:s14+s2], $0x1000, $0x38;
	[tilespmem:$0x1000] =	vst v63  }
0x30: {  	_ =	swait.ge [sflag:s3], $0x1000  }
0x31: {  	[sflag:s3] =	ssyncset.done $0x0  }
0x32: {  	s15 =	sadd.s32 s25, s15;
	[sflag:s3] =	ssyncadd.s32 $0xFFFFF000  }
0x33: {  	[hbm4b:s15+s2] =	stream.linear.scatter [tilespmem:s2], [sflag:$0x1], $0x1000, $0x38;
	[tilespmem:$0x1000] =	vst v63  }
0x34: {  	_ =	swait.ge [sflag:s3], $0x1000  }
0x35: {  	s17 =	sor.u32 $0x18000, s28;
	[sflag:s3] =	ssyncset.done $0x0  }
0x36: {  	s16 =	sadd.s32 s24, s17;
	[sflag:s3] =	ssyncadd.s32 $0xFFFFF000  }
0x37: {  	[tilespmem:s2], [sflag:$0x1] =	stream.linear.gather [hbm4b:s16+s2], $0x1000, $0x38;
	[tilespmem:$0x1000] =	vst v63  }
0x38: {  	_ =	swait.ge [sflag:s3], $0x1000  }
0x39: {  	[sflag:s3] =	ssyncset.done $0x0  }
0x3a: {  	s17 =	sadd.s32 s25, s17;
	[sflag:s3] =	ssyncadd.s32 $0xFFFFF000  }
0x3b: {  	[hbm4b:s17+s2] =	stream.linear.scatter [tilespmem:s2], [sflag:$0x1], $0x1000, $0x38;
	[tilespmem:$0x1000] =	vst v63  }
0x3c: {  	_ =	swait.ge [sflag:s3], $0x1000  }
0x3d: {  	s19 =	sor.u32 $0x1C000, s28;
	[sflag:s3] =	ssyncset.done $0x0  }
0x3e: {  	s18 =	sadd.s32 s24, s19;
	[sflag:s3] =	ssyncadd.s32 $0xFFFFF000  }
0x3f: {  	[tilespmem:s2], [sflag:$0x1] =	stream.linear.gather [hbm4b:s18+s2], $0x1000, $0x38;
	[tilespmem:$0x1000] =	vst v63  }
0x40: {  	_ =	swait.ge [sflag:s3], $0x1000  }
0x41: {  	[sflag:s3] =	ssyncset.done $0x0  }
0x42: {  	s19 =	sadd.s32 s25, s19;
	[sflag:s3] =	ssyncadd.s32 $0xFFFFF000  }
0x43: {  	[hbm4b:s19+s2] =	stream.linear.scatter [tilespmem:s2], [sflag:$0x1], $0x1000, $0x38;
	[tilespmem:$0x1000] =	vst v63  }
0x44: {  	_ =	swait.ge [sflag:s3], $0x1000  }
0x45: {  	s21 =	sor.u32 $0x20000, s28;
	[sflag:s3] =	ssyncset.done $0x0  }
0x46: {  	s20 =	sadd.s32 s24, s21;
	[sflag:s3] =	ssyncadd.s32 $0xFFFFF000  }
0x47: {  	[tilespmem:s2], [sflag:$0x1] =	stream.linear.gather [hbm4b:s20+s2], $0x1000, $0x38;
	[tilespmem:$0x1000] =	vst v63  }
0x48: {  	_ =	swait.ge [sflag:s3], $0x1000  }
0x49: {  	[sflag:s3] =	ssyncset.done $0x0  }
0x4a: {  	s21 =	sadd.s32 s25, s21;
	[sflag:s3] =	ssyncadd.s32 $0xFFFFF000  }
0x4b: {  	[hbm4b:s21+s2] =	stream.linear.scatter [tilespmem:s2], [sflag:$0x1], $0x1000, $0x38;
	[tilespmem:$0x1000] =	vst v63  }
0x4c: {  	_ =	swait.ge [sflag:s3], $0x1000  }
0x4d: {  	s23 =	sor.u32 $0x24000, s28;
	[sflag:s3] =	ssyncset.done $0x0  }
0x4e: {  	s22 =	sadd.s32 s24, s23;
	[sflag:s3] =	ssyncadd.s32 $0xFFFFF000  }
0x4f: {  	[tilespmem:s2], [sflag:$0x1] =	stream.linear.gather [hbm4b:s22+s2], $0x1000, $0x38;
	[tilespmem:$0x1000] =	vst v63  }
0x50: {  	_ =	swait.ge [sflag:s3], $0x1000  }
0x51: {  	[sflag:s3] =	ssyncset.done $0x0  }
0x52: {  	s26 =	ssub.s32 $0x2, s26;
	s23 =	sadd.s32 s25, s23;
	[sflag:s3] =	ssyncadd.s32 $0xFFFFF000  }
0x53: {  	[hbm4b:s23+s2] =	stream.linear.scatter [tilespmem:s2], [sflag:$0x1], $0x1000, $0x38;
	[tilespmem:$0x1000] =	vst v63  }
0x54: {  	s29 =	sshrl.u32 s26, $0x1;
	_ =	swait.ge [sflag:s3], $0x1000  }
0x55: {  	s28 =	sor.u32 $0x28000, s28;
	s26 =	ssub.s32 s26, s29;
	[sflag:s3] =	ssyncset.done $0x0  }
0x56: {  	s24 =	sadd.s32 s24, s28;
	s26 =	smax.u32 s26, $0x1;
	[sflag:s3] =	ssyncadd.s32 $0xFFFFF000  }
0x57: {  	[tilespmem:s2], [sflag:$0x1] =	stream.linear.gather [hbm4b:s24+s2], $0x1000, $0x38;
	[tilespmem:$0x1000] =	vst v63  }
0x58: {  	p0 =	sne.s32 s26, $0x1;
	_ =	swait.ge [sflag:s3], $0x1000  }
.Ltmp0:
0x59: {  	[sflag:s3] =	ssyncset.done $0x0;
	(pc) =	sbr.rel @!p0 .LBB2_2-.Ltmp0, $4  }
0x5a: {  	s25 =	sadd.s32 s25, s28;
	[sflag:s3] =	ssyncadd.s32 $0xFFFFF000  }
0x5b: {  	[hbm4b:s25+s2] =	stream.linear.scatter [tilespmem:s2], [sflag:$0x1], $0x1000, $0x38;
	[tilespmem:$0x1000] =	vst v63  }
0x5c: {  	_ =	swait.ge [sflag:s3], $0x1000  }
0x5d: {  	s26 =	sadd.s32 $0xFFFFFFFF, s26;
	[sflag:s3] =	ssyncset.done $0x0  }
.LBB2_1:
0x5e: {  	p0 =	sne.s32 s26, $0x1;
	s26 =	sadd.s32 $0xFFFFFFFF, s26;
	[sflag:s3] =	ssyncadd.s32 $0xFFFFF000  }
0x5f: {  	[tilespmem:s2], [sflag:$0x1] =	stream.linear.gather [hbm4b:s4+s2], $0x1000, $0x38;
	[tilespmem:$0x1000] =	vst v63  }
0x60: {  	_ =	swait.ge [sflag:s3], $0x1000  }
0x61: {  	[sflag:s3] =	ssyncset.done $0x0  }
0x62: {  	[sflag:s3] =	ssyncadd.s32 $0xFFFFF000  }
0x63: {  	[hbm4b:s5+s2] =	stream.linear.scatter [tilespmem:s2], [sflag:$0x1], $0x1000, $0x38;
	[tilespmem:$0x1000] =	vst v63  }
0x64: {  	_ =	swait.ge [sflag:s3], $0x1000  }
0x65: {  	[sflag:s3] =	ssyncset.done $0x0  }
0x66: {  	[sflag:s3] =	ssyncadd.s32 $0xFFFFF000  }
0x67: {  	[tilespmem:s2], [sflag:$0x1] =	stream.linear.gather [hbm4b:s6+s2], $0x1000, $0x38;
	[tilespmem:$0x1000] =	vst v63  }
0x68: {  	_ =	swait.ge [sflag:s3], $0x1000  }
0x69: {  	[sflag:s3] =	ssyncset.done $0x0  }
0x6a: {  	[sflag:s3] =	ssyncadd.s32 $0xFFFFF000  }
0x6b: {  	[hbm4b:s7+s2] =	stream.linear.scatter [tilespmem:s2], [sflag:$0x1], $0x1000, $0x38;
	[tilespmem:$0x1000] =	vst v63  }
0x6c: {  	_ =	swait.ge [sflag:s3], $0x1000  }
0x6d: {  	[sflag:s3] =	ssyncset.done $0x0  }
0x6e: {  	[sflag:s3] =	ssyncadd.s32 $0xFFFFF000  }
0x6f: {  	[tilespmem:s2], [sflag:$0x1] =	stream.linear.gather [hbm4b:s8+s2], $0x1000, $0x38;
	[tilespmem:$0x1000] =	vst v63  }
0x70: {  	_ =	swait.ge [sflag:s3], $0x1000  }
0x71: {  	[sflag:s3] =	ssyncset.done $0x0  }
0x72: {  	[sflag:s3] =	ssyncadd.s32 $0xFFFFF000  }
0x73: {  	[hbm4b:s9+s2] =	stream.linear.scatter [tilespmem:s2], [sflag:$0x1], $0x1000, $0x38;
	[tilespmem:$0x1000] =	vst v63  }
0x74: {  	_ =	swait.ge [sflag:s3], $0x1000  }
0x75: {  	[sflag:s3] =	ssyncset.done $0x0  }
0x76: {  	[sflag:s3] =	ssyncadd.s32 $0xFFFFF000  }
0x77: {  	[tilespmem:s2], [sflag:$0x1] =	stream.linear.gather [hbm4b:s10+s2], $0x1000, $0x38;
	[tilespmem:$0x1000] =	vst v63  }
0x78: {  	_ =	swait.ge [sflag:s3], $0x1000  }
0x79: {  	[sflag:s3] =	ssyncset.done $0x0  }
0x7a: {  	[sflag:s3] =	ssyncadd.s32 $0xFFFFF000  }
0x7b: {  	[hbm4b:s11+s2] =	stream.linear.scatter [tilespmem:s2], [sflag:$0x1], $0x1000, $0x38;
	[tilespmem:$0x1000] =	vst v63  }
0x7c: {  	_ =	swait.ge [sflag:s3], $0x1000  }
0x7d: {  	[sflag:s3] =	ssyncset.done $0x0  }
0x7e: {  	[sflag:s3] =	ssyncadd.s32 $0xFFFFF000  }
0x7f: {  	[tilespmem:s2], [sflag:$0x1] =	stream.linear.gather [hbm4b:s12+s2], $0x1000, $0x38;
	[tilespmem:$0x1000] =	vst v63  }
0x80: {  	_ =	swait.ge [sflag:s3], $0x1000  }
0x81: {  	[sflag:s3] =	ssyncset.done $0x0  }
0x82: {  	[sflag:s3] =	ssyncadd.s32 $0xFFFFF000  }
0x83: {  	[hbm4b:s13+s2] =	stream.linear.scatter [tilespmem:s2], [sflag:$0x1], $0x1000, $0x38;
	[tilespmem:$0x1000] =	vst v63  }
0x84: {  	_ =	swait.ge [sflag:s3], $0x1000  }
0x85: {  	[sflag:s3] =	ssyncset.done $0x0  }
0x86: {  	[sflag:s3] =	ssyncadd.s32 $0xFFFFF000  }
0x87: {  	[tilespmem:s2], [sflag:$0x1] =	stream.linear.gather [hbm4b:s14+s2], $0x1000, $0x38;
	[tilespmem:$0x1000] =	vst v63  }
0x88: {  	_ =	swait.ge [sflag:s3], $0x1000  }
0x89: {  	[sflag:s3] =	ssyncset.done $0x0  }
0x8a: {  	[sflag:s3] =	ssyncadd.s32 $0xFFFFF000  }
0x8b: {  	[hbm4b:s15+s2] =	stream.linear.scatter [tilespmem:s2], [sflag:$0x1], $0x1000, $0x38;
	[tilespmem:$0x1000] =	vst v63  }
0x8c: {  	_ =	swait.ge [sflag:s3], $0x1000  }
0x8d: {  	[sflag:s3] =	ssyncset.done $0x0  }
0x8e: {  	[sflag:s3] =	ssyncadd.s32 $0xFFFFF000  }
0x8f: {  	[tilespmem:s2], [sflag:$0x1] =	stream.linear.gather [hbm4b:s16+s2], $0x1000, $0x38;
	[tilespmem:$0x1000] =	vst v63  }
0x90: {  	_ =	swait.ge [sflag:s3], $0x1000  }
0x91: {  	[sflag:s3] =	ssyncset.done $0x0  }
0x92: {  	[sflag:s3] =	ssyncadd.s32 $0xFFFFF000  }
0x93: {  	[hbm4b:s17+s2] =	stream.linear.scatter [tilespmem:s2], [sflag:$0x1], $0x1000, $0x38;
	[tilespmem:$0x1000] =	vst v63  }
0x94: {  	_ =	swait.ge [sflag:s3], $0x1000  }
0x95: {  	[sflag:s3] =	ssyncset.done $0x0  }
0x96: {  	[sflag:s3] =	ssyncadd.s32 $0xFFFFF000  }
0x97: {  	[tilespmem:s2], [sflag:$0x1] =	stream.linear.gather [hbm4b:s18+s2], $0x1000, $0x38;
	[tilespmem:$0x1000] =	vst v63  }
0x98: {  	_ =	swait.ge [sflag:s3], $0x1000  }
0x99: {  	[sflag:s3] =	ssyncset.done $0x0  }
0x9a: {  	[sflag:s3] =	ssyncadd.s32 $0xFFFFF000  }
0x9b: {  	[hbm4b:s19+s2] =	stream.linear.scatter [tilespmem:s2], [sflag:$0x1], $0x1000, $0x38;
	[tilespmem:$0x1000] =	vst v63  }
0x9c: {  	_ =	swait.ge [sflag:s3], $0x1000  }
0x9d: {  	[sflag:s3] =	ssyncset.done $0x0  }
0x9e: {  	[sflag:s3] =	ssyncadd.s32 $0xFFFFF000  }
0x9f: {  	[tilespmem:s2], [sflag:$0x1] =	stream.linear.gather [hbm4b:s20+s2], $0x1000, $0x38;
	[tilespmem:$0x1000] =	vst v63  }
0xa0: {  	_ =	swait.ge [sflag:s3], $0x1000  }
0xa1: {  	[sflag:s3] =	ssyncset.done $0x0  }
0xa2: {  	[sflag:s3] =	ssyncadd.s32 $0xFFFFF000  }
0xa3: {  	[hbm4b:s21+s2] =	stream.linear.scatter [tilespmem:s2], [sflag:$0x1], $0x1000, $0x38;
	[tilespmem:$0x1000] =	vst v63  }
0xa4: {  	_ =	swait.ge [sflag:s3], $0x1000  }
0xa5: {  	[sflag:s3] =	ssyncset.done $0x0  }
0xa6: {  	[sflag:s3] =	ssyncadd.s32 $0xFFFFF000  }
0xa7: {  	[tilespmem:s2], [sflag:$0x1] =	stream.linear.gather [hbm4b:s22+s2], $0x1000, $0x38;
	[tilespmem:$0x1000] =	vst v63  }
0xa8: {  	_ =	swait.ge [sflag:s3], $0x1000  }
0xa9: {  	[sflag:s3] =	ssyncset.done $0x0  }
0xaa: {  	[sflag:s3] =	ssyncadd.s32 $0xFFFFF000  }
0xab: {  	[hbm4b:s23+s2] =	stream.linear.scatter [tilespmem:s2], [sflag:$0x1], $0x1000, $0x38;
	[tilespmem:$0x1000] =	vst v63  }
0xac: {  	_ =	swait.ge [sflag:s3], $0x1000  }
0xad: {  	[sflag:s3] =	ssyncset.done $0x0  }
0xae: {  	[sflag:s3] =	ssyncadd.s32 $0xFFFFF000  }
0xaf: {  	[tilespmem:s2], [sflag:$0x1] =	stream.linear.gather [hbm4b:s24+s2], $0x1000, $0x38;
	[tilespmem:$0x1000] =	vst v63  }
0xb0: {  	_ =	swait.ge [sflag:s3], $0x1000  }
.Ltmp1:
0xb1: {  	[sflag:s3] =	ssyncset.done $0x0;
	(pc) =	sbr.rel @p0 .LBB2_1-.Ltmp1, $4  }
0xb2: {  	[sflag:s3] =	ssyncadd.s32 $0xFFFFF000  }
0xb3: {  	[hbm4b:s25+s2] =	stream.linear.scatter [tilespmem:s2], [sflag:$0x1], $0x1000, $0x38;
	[tilespmem:$0x1000] =	vst v63  }
0xb4: {  	_ =	swait.ge [sflag:s3], $0x1000  }
0xb5: {  	[sflag:s3] =	ssyncset.done $0x0  }
.LBB2_2:
0xb6: {  	[sflag:s3] =	ssyncadd.s32 $0xFFFFF000  }
0xb7: {  	_ =	sfence.sel $0x180000  }
0xb8: {  	[bflag:$0x0] =	sbarrier.arrive $0xFFFF  }
0xb9: {  	p0 =	sne.s32 s1, $0x0;
	_ =	strace $0x90000047  }
0xba: {  	s0 =	sadd.s32 @!p0 $0x100000, s0;
	[bflag:$0x2] =	sbarrier.arrive $0xFFFF  }
0xbb: {  	[sflag:s0] =	ssyncadd.tile.s32 @!p0 $0x1;
	_ =	shalt  }
.Lfunc_end2:
_tile_overlayer_lowered:
.L_overlay_start_2:
0xbc: {  	(tag) =	ssettag $0x2  }
0xbd: {  	s0 =	rddreg [dreg:$0x0];
	s2 =	stileid.u32  }
0xbe: {  	s1 =	rddreg [dreg:$0x1];
	p0 =	sne.s32 s2, $0x0  }
0xbf: {  	s3 =	rddreg [dreg:$0x2];
	[bflag:$0x3] =	sbarrier.arrive $0xFFFF;
	s2 =	simm.s32 @!p0 $0x1C01  }
0xc0: {  	[timem:s3], [sflag:s2] =	dma.local @!p0 [hbm:s0], s1  }
0xc1: {  	s0 =	simm.s32 @!p0 $0x1  }
0xc2: {  	_ =	swait.ge @!p0 [sflag:s0], s1  }
0xc3: {  	s1 =	ssub.s32 @!p0 $0x0, s1;
	[sflag:s0] =	ssyncset.done @!p0 $0x0  }
0xc4: {  	[sflag:s0] =	ssyncadd.s32 @!p0 s1  }
0xc5: {  	[bflag:$0x3] =	sbarrier.arrive $0xFFFF  }
0xc6: {  	_ =	shalt  }

</sc_bundles>
